<compile_context>
chip_gen: v7x
topology: tpu7x:2x2x1
jax: 0.10.2.dev20260603
libtpu: 0.0.44.dev20260713+nightly
codegen_flags: <defaults>
</compile_context>

<pallas_src>
import functools

import jax
import jax.numpy as jnp
from jax import lax
from jax.experimental import pallas as pl
from jax.experimental.pallas import tpu as pltpu
from jax.experimental.pallas import tpu_sc as plsc

VOCAB = 30522
HIDDEN = 768
B = 4
S = 2048
TOK = B * S

NC = 2
NS = 16
NW = NC * NS
TPW = TOK // NW
CHW = 32
NCHK = TPW // CHW
TB = 512
SB = S // TB


def _gather_rows(ids_h, tok_h, out_h, idx_v, buf0_v, buf1_v,
                 gsem0, gsem1, osem0, osem1):
    wid = lax.axis_index("s") * NC + lax.axis_index("c")
    base = wid * TPW
    pltpu.sync_copy(ids_h.at[pl.ds(base, TPW)], idx_v)
    bufs = (buf0_v, buf1_v)
    gsems = (gsem0, gsem1)
    osems = (osem0, osem1)
    gd = [None] * NCHK
    od = [None] * NCHK
    gd[0] = pltpu.async_copy(tok_h.at[idx_v.at[pl.ds(0, CHW)]],
                             bufs[0], gsems[0])
    for c in range(NCHK):
        p = c % 2
        if c + 1 < NCHK:
            q = (c + 1) % 2
            if c >= 1:
                od[c - 1].wait()
            gd[c + 1] = pltpu.async_copy(
                tok_h.at[idx_v.at[pl.ds((c + 1) * CHW, CHW)]],
                bufs[q], gsems[q])
        gd[c].wait()
        od[c] = pltpu.async_copy(
            bufs[p], out_h.at[pl.ds(base + c * CHW, CHW), :], osems[p])
    od[NCHK - 2].wait()
    od[NCHK - 1].wait()


def _sc_gather(ids_flat, token_table):
    mesh = plsc.VectorSubcoreMesh(core_axis_name="c", subcore_axis_name="s")
    run = pl.kernel(
        _gather_rows,
        out_type=jax.ShapeDtypeStruct((TOK, HIDDEN), jnp.float32),
        mesh=mesh,
        compiler_params=pltpu.CompilerParams(needs_layout_passes=False),
        scratch_types=[
            pltpu.VMEM((TPW,), jnp.int32),
            pltpu.VMEM((CHW, HIDDEN), jnp.float32),
            pltpu.VMEM((CHW, HIDDEN), jnp.float32),
            pltpu.SemaphoreType.DMA,
            pltpu.SemaphoreType.DMA,
            pltpu.SemaphoreType.DMA,
            pltpu.SemaphoreType.DMA,
        ],
    )
    return run(ids_flat, token_table)


def _ln_body(tok_ref, pos_ref, gam_ref, bet_ref, o_ref):
    x = tok_ref[...] + pos_ref[...]
    mean = jnp.mean(x, axis=1, keepdims=True)
    xc = x - mean
    var = jnp.mean(xc * xc, axis=1, keepdims=True)
    rstd = jax.lax.rsqrt(var + 1e-12)
    o_ref[...] = xc * rstd * gam_ref[...][None, :] + bet_ref[...][None, :]


def _tc_layernorm(gathered, pos_table, ln_gamma, ln_beta):
    return pl.pallas_call(
        _ln_body,
        grid=(SB, B),
        in_specs=[
            pl.BlockSpec((TB, HIDDEN), lambda j, b: (b * SB + j, 0)),
            pl.BlockSpec((TB, HIDDEN), lambda j, b: (j, 0)),
            pl.BlockSpec((HIDDEN,), lambda j, b: (0,)),
            pl.BlockSpec((HIDDEN,), lambda j, b: (0,)),
        ],
        out_specs=pl.BlockSpec((TB, HIDDEN), lambda j, b: (b * SB + j, 0)),
        out_shape=jax.ShapeDtypeStruct((TOK, HIDDEN), jnp.float32),
    )(gathered, pos_table, ln_gamma, ln_beta)


@jax.jit
def kernel(input_ids, token_table, pos_table, ln_gamma, ln_beta):
    ids_flat = input_ids.reshape(TOK).astype(jnp.int32)
    gathered = _sc_gather(ids_flat, token_table)
    out = _tc_layernorm(gathered, pos_table, ln_gamma, ln_beta)
    return out.reshape(B, S, HIDDEN)

# --- scband reference (transcript-rebuilt; emitter-appended) ---
"""Pipeline reference for scband-embeddings-37039797961292 (READ-ONLY COPY).

The authoritative reference and input builder live on the scoring server;
editing this copy changes nothing except your own understanding.
"""

import jax, jax.numpy as jnp
import numpy as np

VOCAB = 30522
HIDDEN = 768
MAX_POS = 2048
B, S = 4, 2048

def setup_inputs(seed: int = 0) -> dict:
    key = jax.random.key(seed)
    k1, k2, k3 = jax.random.split(key, 3)
    input_ids = jax.random.randint(k1, (B, S), 0, VOCAB, dtype=jnp.int64 if jax.config.jax_enable_x64 else jnp.int32).astype(jnp.int32)
    token_table = jax.random.normal(k2, (VOCAB, HIDDEN), dtype=jnp.float32) * 0.02
    pos_table = jax.random.normal(k3, (MAX_POS, HIDDEN), dtype=jnp.float32) * 0.02
    ln_gamma = jnp.ones((HIDDEN,), dtype=jnp.float32)
    ln_beta = jnp.zeros((HIDDEN,), dtype=jnp.float32)
    return {"input_ids": input_ids, "token_table": token_table, "pos_table": pos_table, "ln_gamma": ln_gamma, "ln_beta": ln_beta}

def _layer_norm(x, gamma, beta, eps=1e-12):
    mean = jnp.mean(x, axis=-1, keepdims=True)
    var = jnp.mean(jnp.square(x - mean), axis=-1, keepdims=True)
    return (x - mean) / jnp.sqrt(var + eps) * gamma + beta

def reference(input_ids, token_table, pos_table, ln_gamma, ln_beta):
    seq_length = input_ids.shape[1]
    position_ids = jnp.arange(seq_length, dtype=jnp.int32)[None, :]
    token_embeddings = jnp.take(token_table, input_ids, axis=0)
    position_embeddings = jnp.take(pos_table, position_ids, axis=0)
    embeddings = token_embeddings + position_embeddings
    embeddings = _layer_norm(embeddings, ln_gamma, ln_beta, eps=1e-12)
    # dropout is identity in eval mode
    return embeddings

if __name__ == "__main__":
    import jax
    _d = setup_inputs()
    print(jax.jit(kernel)(*tuple(_d.values())))

</pallas_src>

<mosaic_0001>
#map = affine_map<(d0, d1) -> (0)>
#map1 = affine_map<(d0, d1) -> (0, 0)>
module attributes {stable_mosaic.version = 14 : i64} {
  func.func @_gather_rows(%arg0: i32, %arg1: i32, %arg2: memref<8192xi32, #tpu.memory_space<hbm>>, %arg3: memref<30522x768xf32, #tpu.memory_space<hbm>>, %arg4: memref<8192x768xf32, #tpu.memory_space<hbm>>, %arg5: memref<256xi32, #tpu.memory_space<vmem>>, %arg6: memref<32x768xf32, #tpu.memory_space<vmem>>, %arg7: memref<32x768xf32, #tpu.memory_space<vmem>>, %arg8: memref<!tpu.dma_semaphore, #tpu.memory_space<semaphore_mem>>, %arg9: memref<!tpu.dma_semaphore, #tpu.memory_space<semaphore_mem>>, %arg10: memref<!tpu.dma_semaphore, #tpu.memory_space<semaphore_mem>>, %arg11: memref<!tpu.dma_semaphore, #tpu.memory_space<semaphore_mem>>) attributes {dimension_semantics = [#tpu.dimension_semantics<core_parallel>, #tpu.dimension_semantics<subcore_parallel>], iteration_bounds = array<i64: 2, 16>, scalar_prefetch = 0 : i64, scratch_operands = 7 : i64, tpu.core_type = #tpu.core_type<sc_vector_subcore>, window_params = [{transform_indices = #map}, {transform_indices = #map1}, {transform_indices = #map1}]} {
    %mul3A = arith.constant 2 : i32
    %mul3A_0 = arith.muli %arg1, %mul3A : i32
    %add3A = arith.addi %mul3A_0, %arg0 : i32
    %mul3A_1 = arith.constant 256 : i32
    %mul3A_2 = arith.muli %add3A, %mul3A_1 : i32
    "tpu.region"() ({
      %run_scoped3A = tpu.sem_alloc : memref<!tpu.dma_semaphore, #tpu.memory_space<semaphore_mem>>
      %dma_start3A_161 = tpu.memref_slice %arg2[%mul3A_2] : memref<8192xi32, #tpu.memory_space<hbm>> -> memref<256xi32, #tpu.memory_space<hbm>>
      %dma_start3A_162 = tpu.memref_slice %arg2[%mul3A_2] : memref<8192xi32, #tpu.memory_space<hbm>> -> memref<256xi32, #tpu.memory_space<hbm>>
      tpu.enqueue_dma source(%dma_start3A_162 : memref<256xi32, #tpu.memory_space<hbm>>) target(%arg5 : memref<256xi32, #tpu.memory_space<vmem>>) target_semaphore(%run_scoped3A : memref<!tpu.dma_semaphore, #tpu.memory_space<semaphore_mem>>)
      %dma_wait3A_163 = tpu.memref_slice %arg2[%mul3A_2] : memref<8192xi32, #tpu.memory_space<hbm>> -> memref<256xi32, #tpu.memory_space<hbm>>
      %dma_wait3A_164 = tpu.memref_slice %arg2[%mul3A_2] : memref<8192xi32, #tpu.memory_space<hbm>> -> memref<256xi32, #tpu.memory_space<hbm>>
      tpu.wait_dma2 semaphore(%run_scoped3A : memref<!tpu.dma_semaphore, #tpu.memory_space<semaphore_mem>>) src(%dma_wait3A_164 : memref<256xi32, #tpu.memory_space<hbm>>) dst(%arg5 : memref<256xi32, #tpu.memory_space<vmem>>)
      tpu.yield
    }) : () -> ()
    %dma_start3A = arith.constant 0 : i32
    %dma_start3A_3 = tpu.memref_slice %arg5[%dma_start3A] : memref<256xi32, #tpu.memory_space<vmem>> -> memref<32xi32, #tpu.memory_space<vmem>>
    %dma_start3A_4 = arith.constant 0 : i32
    %dma_start3A_5 = arith.constant 0 : i32
    %dma_start3A_6 = tpu.memref_slice %arg3[%dma_start3A_4, %dma_start3A_5] : memref<30522x768xf32, #tpu.memory_space<hbm>> -> memref<30522x768xf32, #tpu.memory_space<hbm>>
    tpu.enqueue_indirect_dma source(%dma_start3A_6 : memref<30522x768xf32, #tpu.memory_space<hbm>>) target(%arg6 : memref<32x768xf32, #tpu.memory_space<vmem>>) offsets(%dma_start3A_3 : memref<32xi32, #tpu.memory_space<vmem>>) semaphore(%arg8 : memref<!tpu.dma_semaphore, #tpu.memory_space<semaphore_mem>>)
    %dma_start3A_7 = arith.constant 32 : i32
    %dma_start3A_8 = tpu.memref_slice %arg5[%dma_start3A_7] : memref<256xi32, #tpu.memory_space<vmem>> -> memref<32xi32, #tpu.memory_space<vmem>>
    %dma_start3A_9 = arith.constant 0 : i32
    %dma_start3A_10 = arith.constant 0 : i32
    %dma_start3A_11 = tpu.memref_slice %arg3[%dma_start3A_9, %dma_start3A_10] : memref<30522x768xf32, #tpu.memory_space<hbm>> -> memref<30522x768xf32, #tpu.memory_space<hbm>>
    tpu.enqueue_indirect_dma source(%dma_start3A_11 : memref<30522x768xf32, #tpu.memory_space<hbm>>) target(%arg7 : memref<32x768xf32, #tpu.memory_space<vmem>>) offsets(%dma_start3A_8 : memref<32xi32, #tpu.memory_space<vmem>>) semaphore(%arg9 : memref<!tpu.dma_semaphore, #tpu.memory_space<semaphore_mem>>)
    %dma_wait3A = arith.constant 0 : i32
    %dma_wait3A_12 = tpu.memref_slice %arg5[%dma_wait3A] : memref<256xi32, #tpu.memory_space<vmem>> -> memref<32xi32, #tpu.memory_space<vmem>>
    %dma_wait3A_13 = arith.constant 0 : i32
    %dma_wait3A_14 = arith.constant 0 : i32
    %dma_wait3A_15 = tpu.memref_slice %arg3[%dma_wait3A_13, %dma_wait3A_14] : memref<30522x768xf32, #tpu.memory_space<hbm>> -> memref<30522x768xf32, #tpu.memory_space<hbm>>
    tpu.wait_indirect_dma semaphore(%arg8 : memref<!tpu.dma_semaphore, #tpu.memory_space<semaphore_mem>>) src(%dma_wait3A_15 : memref<30522x768xf32, #tpu.memory_space<hbm>>) dst(%arg6 : memref<32x768xf32, #tpu.memory_space<vmem>>)
    %add3A_16 = arith.constant 0 : i32
    %add3A_17 = arith.addi %mul3A_2, %add3A_16 : i32
    %dma_start3A_18 = arith.constant 0 : i32
    %dma_start3A_19 = tpu.memref_slice %arg4[%add3A_17, %dma_start3A_18] : memref<8192x768xf32, #tpu.memory_space<hbm>> -> memref<32x768xf32, #tpu.memory_space<hbm>>
    %dma_start3A_20 = arith.constant 0 : i32
    %dma_start3A_21 = tpu.memref_slice %arg4[%add3A_17, %dma_start3A_20] : memref<8192x768xf32, #tpu.memory_space<hbm>> -> memref<32x768xf32, #tpu.memory_space<hbm>>
    tpu.enqueue_dma source(%arg6 : memref<32x768xf32, #tpu.memory_space<vmem>>) target(%dma_start3A_21 : memref<32x768xf32, #tpu.memory_space<hbm>>) target_semaphore(%arg10 : memref<!tpu.dma_semaphore, #tpu.memory_space<semaphore_mem>>)
    %dma_wait3A_22 = arith.constant 0 : i32
    %dma_wait3A_23 = tpu.memref_slice %arg4[%add3A_17, %dma_wait3A_22] : memref<8192x768xf32, #tpu.memory_space<hbm>> -> memref<32x768xf32, #tpu.memory_space<hbm>>
    %dma_wait3A_24 = arith.constant 0 : i32
    %dma_wait3A_25 = tpu.memref_slice %arg4[%add3A_17, %dma_wait3A_24] : memref<8192x768xf32, #tpu.memory_space<hbm>> -> memref<32x768xf32, #tpu.memory_space<hbm>>
    tpu.wait_dma2 semaphore(%arg10 : memref<!tpu.dma_semaphore, #tpu.memory_space<semaphore_mem>>) src(%arg6 : memref<32x768xf32, #tpu.memory_space<vmem>>) dst(%dma_wait3A_25 : memref<32x768xf32, #tpu.memory_space<hbm>>)
    %dma_start3A_26 = arith.constant 64 : i32
    %dma_start3A_27 = tpu.memref_slice %arg5[%dma_start3A_26] : memref<256xi32, #tpu.memory_space<vmem>> -> memref<32xi32, #tpu.memory_space<vmem>>
    %dma_start3A_28 = arith.constant 0 : i32
    %dma_start3A_29 = arith.constant 0 : i32
    %dma_start3A_30 = tpu.memref_slice %arg3[%dma_start3A_28, %dma_start3A_29] : memref<30522x768xf32, #tpu.memory_space<hbm>> -> memref<30522x768xf32, #tpu.memory_space<hbm>>
    tpu.enqueue_indirect_dma source(%dma_start3A_30 : memref<30522x768xf32, #tpu.memory_space<hbm>>) target(%arg6 : memref<32x768xf32, #tpu.memory_space<vmem>>) offsets(%dma_start3A_27 : memref<32xi32, #tpu.memory_space<vmem>>) semaphore(%arg8 : memref<!tpu.dma_semaphore, #tpu.memory_space<semaphore_mem>>)
    %dma_wait3A_31 = arith.constant 32 : i32
    %dma_wait3A_32 = tpu.memref_slice %arg5[%dma_wait3A_31] : memref<256xi32, #tpu.memory_space<vmem>> -> memref<32xi32, #tpu.memory_space<vmem>>
    %dma_wait3A_33 = arith.constant 0 : i32
    %dma_wait3A_34 = arith.constant 0 : i32
    %dma_wait3A_35 = tpu.memref_slice %arg3[%dma_wait3A_33, %dma_wait3A_34] : memref<30522x768xf32, #tpu.memory_space<hbm>> -> memref<30522x768xf32, #tpu.memory_space<hbm>>
    tpu.wait_indirect_dma semaphore(%arg9 : memref<!tpu.dma_semaphore, #tpu.memory_space<semaphore_mem>>) src(%dma_wait3A_35 : memref<30522x768xf32, #tpu.memory_space<hbm>>) dst(%arg7 : memref<32x768xf32, #tpu.memory_space<vmem>>)
    %add3A_36 = arith.constant 32 : i32
    %add3A_37 = arith.addi %mul3A_2, %add3A_36 : i32
    %dma_start3A_38 = arith.constant 0 : i32
    %dma_start3A_39 = tpu.memref_slice %arg4[%add3A_37, %dma_start3A_38] : memref<8192x768xf32, #tpu.memory_space<hbm>> -> memref<32x768xf32, #tpu.memory_space<hbm>>
    %dma_start3A_40 = arith.constant 0 : i32
    %dma_start3A_41 = tpu.memref_slice %arg4[%add3A_37, %dma_start3A_40] : memref<8192x768xf32, #tpu.memory_space<hbm>> -> memref<32x768xf32, #tpu.memory_space<hbm>>
    tpu.enqueue_dma source(%arg7 : memref<32x768xf32, #tpu.memory_space<vmem>>) target(%dma_start3A_41 : memref<32x768xf32, #tpu.memory_space<hbm>>) target_semaphore(%arg11 : memref<!tpu.dma_semaphore, #tpu.memory_space<semaphore_mem>>)
    %dma_wait3A_42 = arith.constant 0 : i32
    %dma_wait3A_43 = tpu.memref_slice %arg4[%add3A_37, %dma_wait3A_42] : memref<8192x768xf32, #tpu.memory_space<hbm>> -> memref<32x768xf32, #tpu.memory_space<hbm>>
    %dma_wait3A_44 = arith.constant 0 : i32
    %dma_wait3A_45 = tpu.memref_slice %arg4[%add3A_37, %dma_wait3A_44] : memref<8192x768xf32, #tpu.memory_space<hbm>> -> memref<32x768xf32, #tpu.memory_space<hbm>>
    tpu.wait_dma2 semaphore(%arg11 : memref<!tpu.dma_semaphore, #tpu.memory_space<semaphore_mem>>) src(%arg7 : memref<32x768xf32, #tpu.memory_space<vmem>>) dst(%dma_wait3A_45 : memref<32x768xf32, #tpu.memory_space<hbm>>)
    %dma_start3A_46 = arith.constant 96 : i32
    %dma_start3A_47 = tpu.memref_slice %arg5[%dma_start3A_46] : memref<256xi32, #tpu.memory_space<vmem>> -> memref<32xi32, #tpu.memory_space<vmem>>
    %dma_start3A_48 = arith.constant 0 : i32
    %dma_start3A_49 = arith.constant 0 : i32
    %dma_start3A_50 = tpu.memref_slice %arg3[%dma_start3A_48, %dma_start3A_49] : memref<30522x768xf32, #tpu.memory_space<hbm>> -> memref<30522x768xf32, #tpu.memory_space<hbm>>
    tpu.enqueue_indirect_dma source(%dma_start3A_50 : memref<30522x768xf32, #tpu.memory_space<hbm>>) target(%arg7 : memref<32x768xf32, #tpu.memory_space<vmem>>) offsets(%dma_start3A_47 : memref<32xi32, #tpu.memory_space<vmem>>) semaphore(%arg9 : memref<!tpu.dma_semaphore, #tpu.memory_space<semaphore_mem>>)
    %dma_wait3A_51 = arith.constant 64 : i32
    %dma_wait3A_52 = tpu.memref_slice %arg5[%dma_wait3A_51] : memref<256xi32, #tpu.memory_space<vmem>> -> memref<32xi32, #tpu.memory_space<vmem>>
    %dma_wait3A_53 = arith.constant 0 : i32
    %dma_wait3A_54 = arith.constant 0 : i32
    %dma_wait3A_55 = tpu.memref_slice %arg3[%dma_wait3A_53, %dma_wait3A_54] : memref<30522x768xf32, #tpu.memory_space<hbm>> -> memref<30522x768xf32, #tpu.memory_space<hbm>>
    tpu.wait_indirect_dma semaphore(%arg8 : memref<!tpu.dma_semaphore, #tpu.memory_space<semaphore_mem>>) src(%dma_wait3A_55 : memref<30522x768xf32, #tpu.memory_space<hbm>>) dst(%arg6 : memref<32x768xf32, #tpu.memory_space<vmem>>)
    %add3A_56 = arith.constant 64 : i32
    %add3A_57 = arith.addi %mul3A_2, %add3A_56 : i32
    %dma_start3A_58 = arith.constant 0 : i32
    %dma_start3A_59 = tpu.memref_slice %arg4[%add3A_57, %dma_start3A_58] : memref<8192x768xf32, #tpu.memory_space<hbm>> -> memref<32x768xf32, #tpu.memory_space<hbm>>
    %dma_start3A_60 = arith.constant 0 : i32
    %dma_start3A_61 = tpu.memref_slice %arg4[%add3A_57, %dma_start3A_60] : memref<8192x768xf32, #tpu.memory_space<hbm>> -> memref<32x768xf32, #tpu.memory_space<hbm>>
    tpu.enqueue_dma source(%arg6 : memref<32x768xf32, #tpu.memory_space<vmem>>) target(%dma_start3A_61 : memref<32x768xf32, #tpu.memory_space<hbm>>) target_semaphore(%arg10 : memref<!tpu.dma_semaphore, #tpu.memory_space<semaphore_mem>>)
    %dma_wait3A_62 = arith.constant 0 : i32
    %dma_wait3A_63 = tpu.memref_slice %arg4[%add3A_57, %dma_wait3A_62] : memref<8192x768xf32, #tpu.memory_space<hbm>> -> memref<32x768xf32, #tpu.memory_space<hbm>>
    %dma_wait3A_64 = arith.constant 0 : i32
    %dma_wait3A_65 = tpu.memref_slice %arg4[%add3A_57, %dma_wait3A_64] : memref<8192x768xf32, #tpu.memory_space<hbm>> -> memref<32x768xf32, #tpu.memory_space<hbm>>
    tpu.wait_dma2 semaphore(%arg10 : memref<!tpu.dma_semaphore, #tpu.memory_space<semaphore_mem>>) src(%arg6 : memref<32x768xf32, #tpu.memory_space<vmem>>) dst(%dma_wait3A_65 : memref<32x768xf32, #tpu.memory_space<hbm>>)
    %dma_start3A_66 = arith.constant 128 : i32
    %dma_start3A_67 = tpu.memref_slice %arg5[%dma_start3A_66] : memref<256xi32, #tpu.memory_space<vmem>> -> memref<32xi32, #tpu.memory_space<vmem>>
    %dma_start3A_68 = arith.constant 0 : i32
    %dma_start3A_69 = arith.constant 0 : i32
    %dma_start3A_70 = tpu.memref_slice %arg3[%dma_start3A_68, %dma_start3A_69] : memref<30522x768xf32, #tpu.memory_space<hbm>> -> memref<30522x768xf32, #tpu.memory_space<hbm>>
    tpu.enqueue_indirect_dma source(%dma_start3A_70 : memref<30522x768xf32, #tpu.memory_space<hbm>>) target(%arg6 : memref<32x768xf32, #tpu.memory_space<vmem>>) offsets(%dma_start3A_67 : memref<32xi32, #tpu.memory_space<vmem>>) semaphore(%arg8 : memref<!tpu.dma_semaphore, #tpu.memory_space<semaphore_mem>>)
    %dma_wait3A_71 = arith.constant 96 : i32
    %dma_wait3A_72 = tpu.memref_slice %arg5[%dma_wait3A_71] : memref<256xi32, #tpu.memory_space<vmem>> -> memref<32xi32, #tpu.memory_space<vmem>>
    %dma_wait3A_73 = arith.constant 0 : i32
    %dma_wait3A_74 = arith.constant 0 : i32
    %dma_wait3A_75 = tpu.memref_slice %arg3[%dma_wait3A_73, %dma_wait3A_74] : memref<30522x768xf32, #tpu.memory_space<hbm>> -> memref<30522x768xf32, #tpu.memory_space<hbm>>
    tpu.wait_indirect_dma semaphore(%arg9 : memref<!tpu.dma_semaphore, #tpu.memory_space<semaphore_mem>>) src(%dma_wait3A_75 : memref<30522x768xf32, #tpu.memory_space<hbm>>) dst(%arg7 : memref<32x768xf32, #tpu.memory_space<vmem>>)
    %add3A_76 = arith.constant 96 : i32
    %add3A_77 = arith.addi %mul3A_2, %add3A_76 : i32
    %dma_start3A_78 = arith.constant 0 : i32
    %dma_start3A_79 = tpu.memref_slice %arg4[%add3A_77, %dma_start3A_78] : memref<8192x768xf32, #tpu.memory_space<hbm>> -> memref<32x768xf32, #tpu.memory_space<hbm>>
    %dma_start3A_80 = arith.constant 0 : i32
    %dma_start3A_81 = tpu.memref_slice %arg4[%add3A_77, %dma_start3A_80] : memref<8192x768xf32, #tpu.memory_space<hbm>> -> memref<32x768xf32, #tpu.memory_space<hbm>>
    tpu.enqueue_dma source(%arg7 : memref<32x768xf32, #tpu.memory_space<vmem>>) target(%dma_start3A_81 : memref<32x768xf32, #tpu.memory_space<hbm>>) target_semaphore(%arg11 : memref<!tpu.dma_semaphore, #tpu.memory_space<semaphore_mem>>)
    %dma_wait3A_82 = arith.constant 0 : i32
    %dma_wait3A_83 = tpu.memref_slice %arg4[%add3A_77, %dma_wait3A_82] : memref<8192x768xf32, #tpu.memory_space<hbm>> -> memref<32x768xf32, #tpu.memory_space<hbm>>
    %dma_wait3A_84 = arith.constant 0 : i32
    %dma_wait3A_85 = tpu.memref_slice %arg4[%add3A_77, %dma_wait3A_84] : memref<8192x768xf32, #tpu.memory_space<hbm>> -> memref<32x768xf32, #tpu.memory_space<hbm>>
    tpu.wait_dma2 semaphore(%arg11 : memref<!tpu.dma_semaphore, #tpu.memory_space<semaphore_mem>>) src(%arg7 : memref<32x768xf32, #tpu.memory_space<vmem>>) dst(%dma_wait3A_85 : memref<32x768xf32, #tpu.memory_space<hbm>>)
    %dma_start3A_86 = arith.constant 160 : i32
    %dma_start3A_87 = tpu.memref_slice %arg5[%dma_start3A_86] : memref<256xi32, #tpu.memory_space<vmem>> -> memref<32xi32, #tpu.memory_space<vmem>>
    %dma_start3A_88 = arith.constant 0 : i32
    %dma_start3A_89 = arith.constant 0 : i32
    %dma_start3A_90 = tpu.memref_slice %arg3[%dma_start3A_88, %dma_start3A_89] : memref<30522x768xf32, #tpu.memory_space<hbm>> -> memref<30522x768xf32, #tpu.memory_space<hbm>>
    tpu.enqueue_indirect_dma source(%dma_start3A_90 : memref<30522x768xf32, #tpu.memory_space<hbm>>) target(%arg7 : memref<32x768xf32, #tpu.memory_space<vmem>>) offsets(%dma_start3A_87 : memref<32xi32, #tpu.memory_space<vmem>>) semaphore(%arg9 : memref<!tpu.dma_semaphore, #tpu.memory_space<semaphore_mem>>)
    %dma_wait3A_91 = arith.constant 128 : i32
    %dma_wait3A_92 = tpu.memref_slice %arg5[%dma_wait3A_91] : memref<256xi32, #tpu.memory_space<vmem>> -> memref<32xi32, #tpu.memory_space<vmem>>
    %dma_wait3A_93 = arith.constant 0 : i32
    %dma_wait3A_94 = arith.constant 0 : i32
    %dma_wait3A_95 = tpu.memref_slice %arg3[%dma_wait3A_93, %dma_wait3A_94] : memref<30522x768xf32, #tpu.memory_space<hbm>> -> memref<30522x768xf32, #tpu.memory_space<hbm>>
    tpu.wait_indirect_dma semaphore(%arg8 : memref<!tpu.dma_semaphore, #tpu.memory_space<semaphore_mem>>) src(%dma_wait3A_95 : memref<30522x768xf32, #tpu.memory_space<hbm>>) dst(%arg6 : memref<32x768xf32, #tpu.memory_space<vmem>>)
    %add3A_96 = arith.constant 128 : i32
    %add3A_97 = arith.addi %mul3A_2, %add3A_96 : i32
    %dma_start3A_98 = arith.constant 0 : i32
    %dma_start3A_99 = tpu.memref_slice %arg4[%add3A_97, %dma_start3A_98] : memref<8192x768xf32, #tpu.memory_space<hbm>> -> memref<32x768xf32, #tpu.memory_space<hbm>>
    %dma_start3A_100 = arith.constant 0 : i32
    %dma_start3A_101 = tpu.memref_slice %arg4[%add3A_97, %dma_start3A_100] : memref<8192x768xf32, #tpu.memory_space<hbm>> -> memref<32x768xf32, #tpu.memory_space<hbm>>
    tpu.enqueue_dma source(%arg6 : memref<32x768xf32, #tpu.memory_space<vmem>>) target(%dma_start3A_101 : memref<32x768xf32, #tpu.memory_space<hbm>>) target_semaphore(%arg10 : memref<!tpu.dma_semaphore, #tpu.memory_space<semaphore_mem>>)
    %dma_wait3A_102 = arith.constant 0 : i32
    %dma_wait3A_103 = tpu.memref_slice %arg4[%add3A_97, %dma_wait3A_102] : memref<8192x768xf32, #tpu.memory_space<hbm>> -> memref<32x768xf32, #tpu.memory_space<hbm>>
    %dma_wait3A_104 = arith.constant 0 : i32
    %dma_wait3A_105 = tpu.memref_slice %arg4[%add3A_97, %dma_wait3A_104] : memref<8192x768xf32, #tpu.memory_space<hbm>> -> memref<32x768xf32, #tpu.memory_space<hbm>>
    tpu.wait_dma2 semaphore(%arg10 : memref<!tpu.dma_semaphore, #tpu.memory_space<semaphore_mem>>) src(%arg6 : memref<32x768xf32, #tpu.memory_space<vmem>>) dst(%dma_wait3A_105 : memref<32x768xf32, #tpu.memory_space<hbm>>)
    %dma_start3A_106 = arith.constant 192 : i32
    %dma_start3A_107 = tpu.memref_slice %arg5[%dma_start3A_106] : memref<256xi32, #tpu.memory_space<vmem>> -> memref<32xi32, #tpu.memory_space<vmem>>
    %dma_start3A_108 = arith.constant 0 : i32
    %dma_start3A_109 = arith.constant 0 : i32
    %dma_start3A_110 = tpu.memref_slice %arg3[%dma_start3A_108, %dma_start3A_109] : memref<30522x768xf32, #tpu.memory_space<hbm>> -> memref<30522x768xf32, #tpu.memory_space<hbm>>
    tpu.enqueue_indirect_dma source(%dma_start3A_110 : memref<30522x768xf32, #tpu.memory_space<hbm>>) target(%arg6 : memref<32x768xf32, #tpu.memory_space<vmem>>) offsets(%dma_start3A_107 : memref<32xi32, #tpu.memory_space<vmem>>) semaphore(%arg8 : memref<!tpu.dma_semaphore, #tpu.memory_space<semaphore_mem>>)
    %dma_wait3A_111 = arith.constant 160 : i32
    %dma_wait3A_112 = tpu.memref_slice %arg5[%dma_wait3A_111] : memref<256xi32, #tpu.memory_space<vmem>> -> memref<32xi32, #tpu.memory_space<vmem>>
    %dma_wait3A_113 = arith.constant 0 : i32
    %dma_wait3A_114 = arith.constant 0 : i32
    %dma_wait3A_115 = tpu.memref_slice %arg3[%dma_wait3A_113, %dma_wait3A_114] : memref<30522x768xf32, #tpu.memory_space<hbm>> -> memref<30522x768xf32, #tpu.memory_space<hbm>>
    tpu.wait_indirect_dma semaphore(%arg9 : memref<!tpu.dma_semaphore, #tpu.memory_space<semaphore_mem>>) src(%dma_wait3A_115 : memref<30522x768xf32, #tpu.memory_space<hbm>>) dst(%arg7 : memref<32x768xf32, #tpu.memory_space<vmem>>)
    %add3A_116 = arith.constant 160 : i32
    %add3A_117 = arith.addi %mul3A_2, %add3A_116 : i32
    %dma_start3A_118 = arith.constant 0 : i32
    %dma_start3A_119 = tpu.memref_slice %arg4[%add3A_117, %dma_start3A_118] : memref<8192x768xf32, #tpu.memory_space<hbm>> -> memref<32x768xf32, #tpu.memory_space<hbm>>
    %dma_start3A_120 = arith.constant 0 : i32
    %dma_start3A_121 = tpu.memref_slice %arg4[%add3A_117, %dma_start3A_120] : memref<8192x768xf32, #tpu.memory_space<hbm>> -> memref<32x768xf32, #tpu.memory_space<hbm>>
    tpu.enqueue_dma source(%arg7 : memref<32x768xf32, #tpu.memory_space<vmem>>) target(%dma_start3A_121 : memref<32x768xf32, #tpu.memory_space<hbm>>) target_semaphore(%arg11 : memref<!tpu.dma_semaphore, #tpu.memory_space<semaphore_mem>>)
    %dma_wait3A_122 = arith.constant 0 : i32
    %dma_wait3A_123 = tpu.memref_slice %arg4[%add3A_117, %dma_wait3A_122] : memref<8192x768xf32, #tpu.memory_space<hbm>> -> memref<32x768xf32, #tpu.memory_space<hbm>>
    %dma_wait3A_124 = arith.constant 0 : i32
    %dma_wait3A_125 = tpu.memref_slice %arg4[%add3A_117, %dma_wait3A_124] : memref<8192x768xf32, #tpu.memory_space<hbm>> -> memref<32x768xf32, #tpu.memory_space<hbm>>
    tpu.wait_dma2 semaphore(%arg11 : memref<!tpu.dma_semaphore, #tpu.memory_space<semaphore_mem>>) src(%arg7 : memref<32x768xf32, #tpu.memory_space<vmem>>) dst(%dma_wait3A_125 : memref<32x768xf32, #tpu.memory_space<hbm>>)
    %dma_start3A_126 = arith.constant 224 : i32
    %dma_start3A_127 = tpu.memref_slice %arg5[%dma_start3A_126] : memref<256xi32, #tpu.memory_space<vmem>> -> memref<32xi32, #tpu.memory_space<vmem>>
    %dma_start3A_128 = arith.constant 0 : i32
    %dma_start3A_129 = arith.constant 0 : i32
    %dma_start3A_130 = tpu.memref_slice %arg3[%dma_start3A_128, %dma_start3A_129] : memref<30522x768xf32, #tpu.memory_space<hbm>> -> memref<30522x768xf32, #tpu.memory_space<hbm>>
    tpu.enqueue_indirect_dma source(%dma_start3A_130 : memref<30522x768xf32, #tpu.memory_space<hbm>>) target(%arg7 : memref<32x768xf32, #tpu.memory_space<vmem>>) offsets(%dma_start3A_127 : memref<32xi32, #tpu.memory_space<vmem>>) semaphore(%arg9 : memref<!tpu.dma_semaphore, #tpu.memory_space<semaphore_mem>>)
    %dma_wait3A_131 = arith.constant 192 : i32
    %dma_wait3A_132 = tpu.memref_slice %arg5[%dma_wait3A_131] : memref<256xi32, #tpu.memory_space<vmem>> -> memref<32xi32, #tpu.memory_space<vmem>>
    %dma_wait3A_133 = arith.constant 0 : i32
    %dma_wait3A_134 = arith.constant 0 : i32
    %dma_wait3A_135 = tpu.memref_slice %arg3[%dma_wait3A_133, %dma_wait3A_134] : memref<30522x768xf32, #tpu.memory_space<hbm>> -> memref<30522x768xf32, #tpu.memory_space<hbm>>
    tpu.wait_indirect_dma semaphore(%arg8 : memref<!tpu.dma_semaphore, #tpu.memory_space<semaphore_mem>>) src(%dma_wait3A_135 : memref<30522x768xf32, #tpu.memory_space<hbm>>) dst(%arg6 : memref<32x768xf32, #tpu.memory_space<vmem>>)
    %add3A_136 = arith.constant 192 : i32
    %add3A_137 = arith.addi %mul3A_2, %add3A_136 : i32
    %dma_start3A_138 = arith.constant 0 : i32
    %dma_start3A_139 = tpu.memref_slice %arg4[%add3A_137, %dma_start3A_138] : memref<8192x768xf32, #tpu.memory_space<hbm>> -> memref<32x768xf32, #tpu.memory_space<hbm>>
    %dma_start3A_140 = arith.constant 0 : i32
    %dma_start3A_141 = tpu.memref_slice %arg4[%add3A_137, %dma_start3A_140] : memref<8192x768xf32, #tpu.memory_space<hbm>> -> memref<32x768xf32, #tpu.memory_space<hbm>>
    tpu.enqueue_dma source(%arg6 : memref<32x768xf32, #tpu.memory_space<vmem>>) target(%dma_start3A_141 : memref<32x768xf32, #tpu.memory_space<hbm>>) target_semaphore(%arg10 : memref<!tpu.dma_semaphore, #tpu.memory_space<semaphore_mem>>)
    %dma_wait3A_142 = arith.constant 224 : i32
    %dma_wait3A_143 = tpu.memref_slice %arg5[%dma_wait3A_142] : memref<256xi32, #tpu.memory_space<vmem>> -> memref<32xi32, #tpu.memory_space<vmem>>
    %dma_wait3A_144 = arith.constant 0 : i32
    %dma_wait3A_145 = arith.constant 0 : i32
    %dma_wait3A_146 = tpu.memref_slice %arg3[%dma_wait3A_144, %dma_wait3A_145] : memref<30522x768xf32, #tpu.memory_space<hbm>> -> memref<30522x768xf32, #tpu.memory_space<hbm>>
    tpu.wait_indirect_dma semaphore(%arg9 : memref<!tpu.dma_semaphore, #tpu.memory_space<semaphore_mem>>) src(%dma_wait3A_146 : memref<30522x768xf32, #tpu.memory_space<hbm>>) dst(%arg7 : memref<32x768xf32, #tpu.memory_space<vmem>>)
    %add3A_147 = arith.constant 224 : i32
    %add3A_148 = arith.addi %mul3A_2, %add3A_147 : i32
    %dma_start3A_149 = arith.constant 0 : i32
    %dma_start3A_150 = tpu.memref_slice %arg4[%add3A_148, %dma_start3A_149] : memref<8192x768xf32, #tpu.memory_space<hbm>> -> memref<32x768xf32, #tpu.memory_space<hbm>>
    %dma_start3A_151 = arith.constant 0 : i32
    %dma_start3A_152 = tpu.memref_slice %arg4[%add3A_148, %dma_start3A_151] : memref<8192x768xf32, #tpu.memory_space<hbm>> -> memref<32x768xf32, #tpu.memory_space<hbm>>
    tpu.enqueue_dma source(%arg7 : memref<32x768xf32, #tpu.memory_space<vmem>>) target(%dma_start3A_152 : memref<32x768xf32, #tpu.memory_space<hbm>>) target_semaphore(%arg11 : memref<!tpu.dma_semaphore, #tpu.memory_space<semaphore_mem>>)
    %dma_wait3A_153 = arith.constant 0 : i32
    %dma_wait3A_154 = tpu.memref_slice %arg4[%add3A_137, %dma_wait3A_153] : memref<8192x768xf32, #tpu.memory_space<hbm>> -> memref<32x768xf32, #tpu.memory_space<hbm>>
    %dma_wait3A_155 = arith.constant 0 : i32
    %dma_wait3A_156 = tpu.memref_slice %arg4[%add3A_137, %dma_wait3A_155] : memref<8192x768xf32, #tpu.memory_space<hbm>> -> memref<32x768xf32, #tpu.memory_space<hbm>>
    tpu.wait_dma2 semaphore(%arg10 : memref<!tpu.dma_semaphore, #tpu.memory_space<semaphore_mem>>) src(%arg6 : memref<32x768xf32, #tpu.memory_space<vmem>>) dst(%dma_wait3A_156 : memref<32x768xf32, #tpu.memory_space<hbm>>)
    %dma_wait3A_157 = arith.constant 0 : i32
    %dma_wait3A_158 = tpu.memref_slice %arg4[%add3A_148, %dma_wait3A_157] : memref<8192x768xf32, #tpu.memory_space<hbm>> -> memref<32x768xf32, #tpu.memory_space<hbm>>
    %dma_wait3A_159 = arith.constant 0 : i32
    %dma_wait3A_160 = tpu.memref_slice %arg4[%add3A_148, %dma_wait3A_159] : memref<8192x768xf32, #tpu.memory_space<hbm>> -> memref<32x768xf32, #tpu.memory_space<hbm>>
    tpu.wait_dma2 semaphore(%arg11 : memref<!tpu.dma_semaphore, #tpu.memory_space<semaphore_mem>>) src(%arg7 : memref<32x768xf32, #tpu.memory_space<vmem>>) dst(%dma_wait3A_160 : memref<32x768xf32, #tpu.memory_space<hbm>>)
    return
  }
}

module attributes {stable_mosaic.version = 14 : i64} {
  func.func @_ln_body(%arg0: i32, %arg1: i32, %arg2: memref<512x768xf32, #tpu.memory_space<vmem>>, %arg3: memref<512x768xf32, #tpu.memory_space<vmem>>, %arg4: memref<768xf32, #tpu.memory_space<vmem>>, %arg5: memref<768xf32, #tpu.memory_space<vmem>>, %arg6: memref<512x768xf32, #tpu.memory_space<vmem>>) attributes {dimension_semantics = [#tpu.dimension_semantics<arbitrary>, #tpu.dimension_semantics<arbitrary>], iteration_bounds = array<i64: 4, 4>, scalar_prefetch = 0 : i64, scratch_operands = 0 : i64, tpu.core_type = #tpu.core_type<tc>, window_params = [{transform_indices = @transform_0, window_bounds = array<i64: 512, 768>}, {transform_indices = @transform_1, window_bounds = array<i64: 512, 768>}, {pipeline_mode = #tpu.pipeline_mode<synchronous>, transform_indices = @transform_2, window_bounds = array<i64: 768>}, {pipeline_mode = #tpu.pipeline_mode<synchronous>, transform_indices = @transform_3, window_bounds = array<i64: 768>}, {transform_indices = @transform_4, window_bounds = array<i64: 512, 768>}]} {
    %get3A = arith.constant 0 : index
    %get3A_0 = arith.constant 0 : index
    %get3A_1 = vector.load %arg2[%get3A, %get3A_0] : memref<512x768xf32, #tpu.memory_space<vmem>>, vector<512x768xf32>
    %get3A_2 = arith.constant 0 : index
    %get3A_3 = arith.constant 0 : index
    %get3A_4 = vector.load %arg3[%get3A_2, %get3A_3] : memref<512x768xf32, #tpu.memory_space<vmem>>, vector<512x768xf32>
    %add3A = arith.addf %get3A_1, %get3A_4 : vector<512x768xf32>
    %reduce_sum3A = arith.constant dense<0.000000e+00> : vector<512xf32>
    %reduce_sum3A_5 = vector.multi_reduction <add>, %add3A, %reduce_sum3A [1] : vector<512x768xf32> to vector<512xf32>
    %broadcast_in_dim3A = vector.shape_cast %reduce_sum3A_5 : vector<512xf32> to vector<512x1xf32>
    %div3A = arith.constant 7.680000e+02 : f32
    %div3A_6 = vector.broadcast %div3A : f32 to vector<512x1xf32>
    %div3A_7 = arith.divf %broadcast_in_dim3A, %div3A_6 : vector<512x1xf32>
    %sub3A = vector.broadcast %div3A_7 : vector<512x1xf32> to vector<512x768xf32>
    %sub3A_8 = arith.subf %add3A, %sub3A : vector<512x768xf32>
    %mul3A = arith.mulf %sub3A_8, %sub3A_8 : vector<512x768xf32>
    %reduce_sum3A_9 = arith.constant dense<0.000000e+00> : vector<512xf32>
    %reduce_sum3A_10 = vector.multi_reduction <add>, %mul3A, %reduce_sum3A_9 [1] : vector<512x768xf32> to vector<512xf32>
    %broadcast_in_dim3A_11 = vector.shape_cast %reduce_sum3A_10 : vector<512xf32> to vector<512x1xf32>
    %div3A_12 = arith.constant 7.680000e+02 : f32
    %div3A_13 = vector.broadcast %div3A_12 : f32 to vector<512x1xf32>
    %div3A_14 = arith.divf %broadcast_in_dim3A_11, %div3A_13 : vector<512x1xf32>
    %add3A_15 = arith.constant 9.99999996E-13 : f32
    %add3A_16 = vector.broadcast %add3A_15 : f32 to vector<512x1xf32>
    %add3A_17 = arith.addf %div3A_14, %add3A_16 : vector<512x1xf32>
    %rsqrt3A = math.rsqrt %add3A_17 : vector<512x1xf32>
    %mul3A_18 = vector.broadcast %rsqrt3A : vector<512x1xf32> to vector<512x768xf32>
    %mul3A_19 = arith.mulf %sub3A_8, %mul3A_18 : vector<512x768xf32>
    %get3A_20 = arith.constant 0 : index
    %get3A_21 = vector.load %arg4[%get3A_20] : memref<768xf32, #tpu.memory_space<vmem>>, vector<768xf32>
    %broadcast_in_dim3A_22 = vector.shape_cast %get3A_21 : vector<768xf32> to vector<1x768xf32>
    %mul3A_23 = vector.broadcast %broadcast_in_dim3A_22 : vector<1x768xf32> to vector<512x768xf32>
    %mul3A_24 = arith.mulf %mul3A_19, %mul3A_23 : vector<512x768xf32>
    %get3A_25 = arith.constant 0 : index
    %get3A_26 = vector.load %arg5[%get3A_25] : memref<768xf32, #tpu.memory_space<vmem>>, vector<768xf32>
    %broadcast_in_dim3A_27 = vector.shape_cast %get3A_26 : vector<768xf32> to vector<1x768xf32>
    %add3A_28 = vector.broadcast %broadcast_in_dim3A_27 : vector<1x768xf32> to vector<512x768xf32>
    %add3A_29 = arith.addf %mul3A_24, %add3A_28 : vector<512x768xf32>
    %swap3A = arith.constant 0 : index
    %swap3A_30 = arith.constant 0 : index
    %swap3A_31 = vector.load %arg6[%swap3A, %swap3A_30] : memref<512x768xf32, #tpu.memory_space<vmem>>, vector<512x768xf32>
    tpu.vector_store %arg6[%swap3A, %swap3A_30], %add3A_29 {strides = array<i32>} : memref<512x768xf32, #tpu.memory_space<vmem>>, vector<512x768xf32>,
    return
  }
  func.func @transform_0(%arg0: i32, %arg1: i32) -> (i32, i32) {
    %mul3A = arith.constant 4 : i32
    %mul3A_0 = arith.muli %arg1, %mul3A : i32
    %add3A = arith.addi %mul3A_0, %arg0 : i32
    %c0_i32 = arith.constant 0 : i32
    %c0_i32_1 = arith.constant 0 : i32
    return %add3A, %c0_i32 : i32, i32
  }
  func.func @transform_1(%arg0: i32, %arg1: i32) -> (i32, i32) {
    %c0_i32 = arith.constant 0 : i32
    %c0_i32_0 = arith.constant 0 : i32
    return %arg0, %c0_i32 : i32, i32
  }
  func.func @transform_2(%arg0: i32, %arg1: i32) -> i32 {
    %c0_i32 = arith.constant 0 : i32
    %c0_i32_0 = arith.constant 0 : i32
    return %c0_i32 : i32
  }
  func.func @transform_3(%arg0: i32, %arg1: i32) -> i32 {
    %c0_i32 = arith.constant 0 : i32
    %c0_i32_0 = arith.constant 0 : i32
    return %c0_i32 : i32
  }
  func.func @transform_4(%arg0: i32, %arg1: i32) -> (i32, i32) {
    %mul3A = arith.constant 4 : i32
    %mul3A_0 = arith.muli %arg1, %mul3A : i32
    %add3A = arith.addi %mul3A_0, %arg0 : i32
    %c0_i32 = arith.constant 0 : i32
    %c0_i32_1 = arith.constant 0 : i32
    return %add3A, %c0_i32 : i32, i32
  }
}

</mosaic_0001>

<sc_bundles>
// kernel: kernel.4.cloned.1.call-start
scs
__scs_entry_jumppad:
0x0: {  	(pc) =	sbr.rel $0x88, $3  }
0x1: {  	(tag) =	ssettag $0x0;
	lr =	simm.s32 $0x1  }
0x2: {  	[smem:$0x3F9C] =	sst lr;
	_ =	strace $0xD0000000  }
0x3: {  	_ = 	snop  }
0x4: {  	_ = 	snop  }
0x5: {  	_ = 	snop  }
0x6: {  	_ = 	snop  }
0x7: {  	_ = 	snop  }
__scs_overlays_trampoline_lowered:
0x8: {  	[smem:$0x3FAB] =	sst s0  }
0x9: {  	[smem:$0x3FAC] =	sst s1  }
0xa: {  	[smem:$0x3FAD] =	sst s2  }
0xb: {  	[smem:$0x3FAE] =	sst s3  }
0xc: {  	[smem:$0x3FAF] =	sst s4  }
0xd: {  	[smem:$0x3FB0] =	sst s5  }
0xe: {  	[smem:$0x3FB1] =	sst s6  }
0xf: {  	[smem:$0x3FB2] =	sst s7  }
0x10: {  	[smem:$0x3FB3] =	sst s8  }
0x11: {  	[smem:$0x3FB4] =	sst s9;
	s0 =	simm.s32 @!p0 $0x0  }
0x12: {  	s1 =	sld [smem:$0x3F9A];
	s0 =	simm.s32 @p0 $0x1  }
0x13: {  	[smem:$0x3FB5] =	sst s0;
	s0 =	simm.s32 @!p1 $0x0  }
0x14: {  	s2 =	sld [smem:$0x3F99];
	s0 =	simm.s32 @p1 $0x1  }
0x15: {  	[smem:$0x3FB6] =	sst s0;
	s0 =	simm.s32 @!p2 $0x0  }
0x16: {  	s3 =	sld [smem:$0x3FDB];
	s0 =	simm.s32 @p2 $0x1  }
0x17: {  	s4 =	simm.s32 $0x1BF5;
	[smem:$0x3FB8] =	sst s0  }
0x18: {  	s0 =	sld [smem:$0x3F9B];
	_ =	swait.ge [sflag:s4], $0x0  }
0x19: {  	s7 =	sld [smem:$0x3F9C]  }
0x1a: {  	s8 =	sadd.s32 $0xFFFFE003, lr  }
0x1b: {  	s9 =	sadd.s32 $0xFFFFFEF7, lr;
	s5 =	simm.s32 $0xFFFFFFFF;
	p2 =	slt.u32 s8, $0xFFFFF086  }
0x1c: {  	p1 =	slt.u32 s9, $0xF7A;
	s5 =	simm.s32 @!p2 $0x0  }
0x1d: {  	s5 =	simm.s32 @p1 $0x1;
	p0 =	seq.s32 s7, s2  }
0x1e: {  	s7 =	smul.u32 @!p0 $0xF7A, s2;
	p2 =	seq.s32 @!p0 s5, $0x0  }
0x1f: {  	s9 =	smul.u32 $0xF7A, s1;
	s8 =	simm.s32 @!p0 $0x1BF5;
	p2 =	por !p2, p0  }
0x20: {  	[sflag:s8] =	ssyncset.s32 @!p0 $0xFFFFF086;
	s6 =	sadd.s32 @!p0 s3, s7;
	s7 =	simm.s32 @!p0 $0x108  }
0x21: {  	s3 =	sadd.s32 s3, s9;
	s6 =	sadd.s32 @!p0 $0x88, s6;
	s7 =	simm.s32 @p2 $0x1082  }
0x22: {  	[simem:s7], [sflag:s8] =	dma.local @!p0 [hbm:s6], $0xF7A  }
0x23: {  	s9 =	sor.u32 $0xD0000000, s2;
	s6 =	simm.s32 $0x108;
	_ =	swait.ge @!p0 [sflag:s8], $0x0  }
0x24: {  	s3 =	sadd.s32 $0x88, s3;
	s6 =	simm.s32 @!p1 $0x1082;
	[sflag:s4] =	ssyncset.s32 $0xFFFFF086  }
0x25: {  	[simem:s6], [sflag:s4] =	dma.local [hbm:s3], $0xF7A  }
0x26: {  	[smem:$0x3F9C] =	sst s1;
	(tag) =	ssettag s2;
	_ =	strace s9  }
0x27: {  	s1 =	sld [smem:$0x3FAC]  }
0x28: {  	s2 =	sld [smem:$0x3FAD]  }
0x29: {  	s4 =	sld [smem:$0x3FAF]  }
0x2a: {  	p0 =	seq.s32 s5, $0x0;
	s5 =	sld [smem:$0x3FB0]  }
0x2b: {  	s6 =	sld [smem:$0x3FB1]  }
0x2c: {  	s7 =	sld [smem:$0x3FB2]  }
0x2d: {  	s3 =	simm.s32 $0x108;
	s8 =	sld [smem:$0x3FB3]  }
0x2e: {  	s3 =	simm.s32 @!p0 $0x1082;
	s9 =	sld [smem:$0x3FB4]  }
0x2f: {  	lr =	sadd.s32 s0, s3;
	s0 =	sld [smem:$0x3FAB]  }
0x30: {  	s3 =	sld [smem:$0x3FAE]  }
0x31: {  	[smem:$0x3FB7] =	sst s10  }
0x32: {  	s10 =	sld [smem:$0x3FB5];
	_ =	sdelay $0x3  }
0x33: {  	p0 =	seq.s32 s10, $0x1;
	s10 =	sld [smem:$0x3FB7];
	_ =	sdelay $0x3  }
0x34: {  	[smem:$0x3FB7] =	sst s10  }
0x35: {  	s10 =	sld [smem:$0x3FB6];
	_ =	sdelay $0x3  }
0x36: {  	p1 =	seq.s32 s10, $0x1;
	s10 =	sld [smem:$0x3FB7];
	_ =	sdelay $0x3  }
0x37: {  	[smem:$0x3FB7] =	sst s10  }
0x38: {  	s10 =	sld [smem:$0x3FB8]  }
0x39: {  	_ = 	snop;
	(pc) =	sbr.ind lr, $3  }
0x3a: {  	_ = 	snop  }
0x3b: {  	_ = 	snop  }
0x3c: {  	p2 =	seq.s32 s10, $0x1;
	s10 =	sld [smem:$0x3FB7]  }
0x3d: {  	_ =	shalt  }
0x3e: {  	_ =	shalt  }
0x3f: {  	_ =	shalt  }
0x40: {  	_ =	shalt  }
0x41: {  	_ =	shalt  }
0x42: {  	_ =	shalt  }
0x43: {  	_ =	shalt  }
0x44: {  	_ =	shalt  }
0x45: {  	_ =	shalt  }
0x46: {  	_ =	shalt  }
0x47: {  	_ =	shalt  }
0x48: {  	_ =	shalt  }
0x49: {  	_ =	shalt  }
0x4a: {  	_ =	shalt  }
0x4b: {  	_ =	shalt  }
0x4c: {  	_ =	shalt  }
0x4d: {  	_ =	shalt  }
0x4e: {  	_ =	shalt  }
0x4f: {  	_ =	shalt  }
0x50: {  	_ =	shalt  }
0x51: {  	_ =	shalt  }
0x52: {  	_ =	shalt  }
0x53: {  	_ =	shalt  }
0x54: {  	_ =	shalt  }
0x55: {  	_ =	shalt  }
0x56: {  	_ =	shalt  }
0x57: {  	_ =	shalt  }
0x58: {  	_ =	shalt  }
0x59: {  	_ =	shalt  }
0x5a: {  	_ =	shalt  }
0x5b: {  	_ =	shalt  }
0x5c: {  	_ =	shalt  }
0x5d: {  	_ =	shalt  }
0x5e: {  	_ =	shalt  }
0x5f: {  	_ =	shalt  }
0x60: {  	_ =	shalt  }
0x61: {  	_ =	shalt  }
0x62: {  	_ =	shalt  }
0x63: {  	_ =	shalt  }
0x64: {  	_ =	shalt  }
0x65: {  	_ =	shalt  }
0x66: {  	_ =	shalt  }
0x67: {  	_ =	shalt  }
0x68: {  	_ =	shalt  }
0x69: {  	_ =	shalt  }
0x6a: {  	_ =	shalt  }
0x6b: {  	_ =	shalt  }
0x6c: {  	_ =	shalt  }
0x6d: {  	_ =	shalt  }
0x6e: {  	_ =	shalt  }
0x6f: {  	_ =	shalt  }
0x70: {  	_ =	shalt  }
0x71: {  	_ =	shalt  }
0x72: {  	_ =	shalt  }
0x73: {  	_ =	shalt  }
0x74: {  	_ =	shalt  }
0x75: {  	_ =	shalt  }
0x76: {  	_ =	shalt  }
0x77: {  	_ =	shalt  }
0x78: {  	_ =	shalt  }
0x79: {  	_ =	shalt  }
0x7a: {  	_ =	shalt  }
0x7b: {  	_ =	shalt  }
0x7c: {  	_ =	shalt  }
0x7d: {  	_ =	shalt  }
0x7e: {  	_ =	shalt  }
0x7f: {  	_ =	shalt  }
0x80: {  	_ =	shalt  }
0x81: {  	_ =	shalt  }
0x82: {  	_ =	shalt  }
0x83: {  	_ =	shalt  }
0x84: {  	_ =	shalt  }
0x85: {  	_ =	shalt  }
0x86: {  	_ =	shalt  }
0x87: {  	_ =	shalt  }
.Lfunc_end0:
.L_simem_size_0:
called_computation_lowered:
.L_overlay_start_0:
0x88: {  	s2 =	sld [smem:$0x3FD9]  }
0x89: {  	s3 =	sld [smem:$0x3FFE];
	_ =	sdelay $0x1  }
0x8a: {  	s1 =	srdreg.scid  }
0x8b: {  	s0 =	sand.u32 $0x1, s1  }
0x8c: {  	s17 =	sshll.u32 s0, $0xA;
	s2 =	sadd.s32 s3, s2  }
0x8d: {  	s2 =	sadd.s32 s2, s17  }
0x8e: {  	[smem:$0x3FC3] =	sst s2  }
0x8f: {  	_ = 	snop  }
0x90: {  	s2 =	sld [smem:$0x3FC8]  }
0x91: {  	s18 =	sld [smem:$0x3FD0];
	(tm) =	ssettm $0x1  }
0x92: {  	s4 =	sld [smem:$0x3FFB];
	_ =	sdelay $0x3  }
0x93: {  	_ =	strace s4  }
0x94: {  	s4 =	sld [smem:$0x3FFC];
	_ =	sdelay $0x3  }
0x95: {  	_ =	strace s4  }
0x96: {  	s4 =	sld [smem:$0x3FFD];
	_ =	sdelay $0x3  }
0x97: {  	_ =	strace s4  }
0x98: {  	_ =	strace $0x8FFFFFFF  }
0x99: {  	s19 =	sld [smem:$0x3FDB];
	_ =	sdelay $0x1  }
0x9a: {  	s5 =	simm.s32 $_scs_section_size  }
0x9b: {  	s6 =	simm.s32 $_size__tile_overlayer_lowered;
	s7 =	simm.s32 $_tile_overlayer_lowered  }
0x9c: {  	s22 =	simm.s32 $0x1BFF;
	s21 =	sshll.u32 s7, $0x1;
	s4 =	sadd.s32 s5, s19  }
0x9d: {  	s8 =	simm.s32 $0x0;
	s20 =	sshll.u32 s6, $0x1;
	s6 =	sadd.s32 s21, s4  }
0x9e: {  	[timem:s8], [sflag:s22] =	dma.local [hbm:s6], s20  }
0x9f: {  	_ =	swait.ge [sflag:s22], s20  }
0xa0: {  	s5 =	ssub.s32 $0x0, s20;
	[sflag:s22] =	ssyncset.done $0x0  }
0xa1: {  	[sflag:s22] =	ssyncadd.s32 s5;
	_ =	sdelay $0x1  }
0xa2: {  	s23 =	simm.s32 $0x1B8B  }
0xa3: {  	_ =	swait.ge [sflag:s23], $0x1  }
0xa4: {  	[sflag:s23] =	ssyncset.done $0x0  }
0xa5: {  	s25 =	simm.s32 $0x1B8E;
	s24 =	sld [smem:$0x3FFE];
	[sflag:s23] =	ssyncadd.s32 $0xFFFFFFFF  }
0xa6: {  	s26 =	simm.s32 $execute0_lowered;
	[smem:$0x3FD2] =	sst s25  }
0xa7: {  	s6 =	sshll.u32 s26, $0x1;
	_ =	strace $0x80000046;
	[dreg:$0x1] =	wrdreg $0xFFFFFFFF  }
0xa8: {  	s28 =	simm.s32 $_size_execute0_lowered;
	s4 =	sadd.s32 s4, s6;
	[dreg:$0x0] =	wrdreg $0x0  }
0xa9: {  	s6 =	sshll.u32 s28, $0x1;
	[dreg:$0x2] =	wrdreg s4  }
0xaa: {  	[dreg:$0x3] =	wrdreg s6  }
0xab: {  	[dreg:$0x4] =	wrdreg $0xC0  }
0xac: {  	_ =	task [dreg:s8], $0x5FFFF  }
0xad: {  	[dreg:$0x1] =	wrdreg $0xFFFFFFFF  }
0xae: {  	[dreg:$0x0] =	wrdreg $0x60  }
0xaf: {  	[dreg:$0x2] =	wrdreg s18  }
0xb0: {  	[dreg:$0x3] =	wrdreg s2  }
0xb1: {  	[dreg:$0x4] =	wrdreg s24  }
0xb2: {  	[dreg:$0x5] =	wrdreg $0x9  }
0xb3: {  	_ =	task.clear_ibuf [dreg:s8], $0x6FFFF;
	_ =	strace $0x90000046  }
0xb4: {  	s29 =	simm.s32 $0x9;
	_ =	strace $0x80000048  }
0xb5: {  	_ =	swait.ge [sflag:s29], $0x1  }
0xb6: {  	[sflag:s29] =	ssyncadd.s32 $0xFFFFFFFF  }
0xb7: {  	_ =	strace $0x90000048  }
0xb8: {  	_ =	sfence  }
0xb9: {  	s30 =	sld [smem:$0x0];
	_ =	sdelay $0x2  }
0xba: {  	s31 =	sshll.u32 s1, $0xD;
	s1 =	sshrl.u32 s1, $0x2  }
0xbb: {  	s3 =	sand.u32 $0x4000, s31;
	s1 =	sadd.s32 s1, s30  }
0xbc: {  	s0 =	sor.u32 s3, s0;
	s1 =	sshll.u32 s1, $0x11  }
0xbd: {  	s0 =	sor.u32 s1, s0  }
0xbe: {  	s0 =	sadd.s32 $0x8F2B, s0  }
0xbf: {  	[sflag:s0] =	ssyncadd.remote.s32 $0x1  }
0xc0: {  	_ =	sfence.sel $0xFFFF  }
0xc1: {  	[dreg:$0x0] =	wrdreg $0xFFFFFFFF;
	(pc) =	sbr.abs _section_cstart, $3  }
0xc2: {  	[dreg:$0x1] =	wrdreg $0xFFFFFFFF  }
0xc3: {  	_ =	task.clear_ibuf [dreg:s8], $0x2FFFF;
	_ =	strace $0x9FFFFFFF  }
0xc4: {  	(tm) =	ssettm $0x7FFFFFFF  }
0xc5: {  	_ =	shalt  }
tec
execute0_lowered:
.L_overlay_start_1:
0x0: {  	(tag) =	ssettag $0x1  }
0x1: {  	s0 =	srdreg.scid;
	s1 =	rddreg [dreg:$0x0]  }
0x2: {  	s3 =	stileid.u32;
	s2 =	rddreg [dreg:$0x1]  }
0x3: {  	s5 =	rddreg [dreg:$0x2];
	s29 =	simm.s32 $0x100;
	s8 =	simm.s32 $0x3  }
0x4: {  	s10 =	simm.s32 $0x2;
	s11 =	simm.s32 $0x4;
	s28 =	simm.s32 $0x1900  }
0x5: {  	s30 =	simm.s32 $0x2100;
	s17 =	simm.s32 $0x2900;
	s0 =	sand.u32 $0x1, s0  }
0x6: {  	s18 =	simm.s32 $0x3100;
	s3 =	sshll.u32 s3, $0x6;
	s4 =	sshll.u32 s0, $0x5  }
0x7: {  	s5 =	sadd.s32 $0xA00, s5;
	s0 =	ssub.s32 $0x2, s0;
	s4 =	sor.u32 s4, s3  }
0x8: {  	s3 =	simm.s32 $0x0;
	s25 =	sshrl.u32 s0, $0x1;
	s6 =	smul.u32 $0x300, s4  }
0x9: {  	[smem:$0x7FF] =	sst s3;
	s7 =	smul.u32 $0x1800, s4;
	s1 =	sadd.s32 s1, s4  }
0xa: {  	s0 =	ssub.s32 s0, s25;
	s25 =	simm.s32 $0x900;
	_ =	strace $0x80000047  }
0xb: {  	[dreg:$0x4] =	wrdreg s1;
	s6 =	sadd.s32 s5, s6;
	s20 =	sshrl.u32 s7, $0x3  }
0xc: {  	s7 =	smax.u32 s0, $0x1;
	s19 =	sadd.s32 $0xC00, s6;
	[dreg:$0xc] =	wrdreg s6  }
0xd: {  	s21 =	sadd.s32 $0x1800, s6;
	s4 =	sadd.s32 s5, s20;
	[dreg:$0x5] =	wrdreg s19  }
0xe: {  	s5 =	sadd.s32 $0x100, s2;
	[dreg:$0x6] =	wrdreg s21;
	s22 =	sadd.s32 $0x2400, s4  }
0xf: {  	s6 =	sadd.s32 $0x200, s2;
	s23 =	sadd.s32 $0x3000, s4;
	[dreg:$0x7] =	wrdreg s22  }
0x10: {  	s20 =	simm.s32 $0x4100;
	s24 =	sadd.s32 $0x3C00, s4;
	[dreg:$0x8] =	wrdreg s23  }
0x11: {  	s26 =	sadd.s32 $0x4800, s4;
	s31 =	sadd.s32 $0x5400, s4;
	[dreg:$0x9] =	wrdreg s24  }
0x12: {  	v2 =	vlaneseq.u32;
	s21 =	simm.s32 $0x6100;
	s4 =	simm.s32 $0x1;
	[dreg:$0xa] =	wrdreg s26  }
0x13: {  	vm0 =	vmmov $0xffff;
	v1 =	vshrl.u32 v2, $0x3;
	s19 =	simm.s32 $0x3900;
	[dreg:$0xb] =	wrdreg s31;
	s26 =	simm.s32 $0x1100  }
0x14: {  	v0 =	vand.u32 $0x7, v2;
	v2 =	vor.u32 $0x8, v2;
	v1 =	vmul.u32 $0x8, v1;
	s22 =	simm.s32 $0x4900;
	s23 =	simm.s32 $0x5100;
	s24 =	simm.s32 $0x5900  }
.LBB2_1:
0x15: {  	s12 =	rddreg [dreg:$0x4];
	s9 =	simm.s32 $0x5  }
0x16: {  	[tilespmem:s3], [sflag:$0x5] =	stream.linear.gather [hbm4b:s12+s3], $0x100, $0x38;
	[tilespmem:$0xC100] =	vst v63  }
0x17: {  	_ =	swait.ge [sflag:s9], $0x100  }
0x18: {  	[sflag:s9] =	ssyncset.done $0x0  }
0x19: {  	[sflag:s9] =	ssyncadd.s32 $0xFFFFFF00  }
0x1a: {  	v3 =	vld [tilespmem:$0x0];
	_ =	sdelay $0x4  }
0x1b: {  	v4 =	vshrl.u32 v3, $0x3  }
0x1c: {  	v4 =	vmul.u32 $0x30, v4  }
0x1d: {  	v3 =	vand.u32 $0x7, v3  }
0x1e: {  	v3 =	vor.u32 v3, v4  }
0x1f: {  	v4 =	vperm.xlane v3, v0;
	_ =	sdelay $0x1  }
0x20: {  	v4 =	vadd.s32 v1, v4;
	_ =	sdelay $0x3  }
0x21: {  	v3 =	vperm.xlane v3, v2  }
0x22: {  	[tilespmem:s29], [sflag:$0x1] =	stream.indirect_vreg.gather [hbm4b:s2+s3], $0x80, v4, vm0, $0xb8;
	[tilespmem:$0xC100] =	vst v63  }
0x23: {  	v3 =	vadd.s32 v1, v3  }
0x24: {  	[tilespmem:s25], [sflag:$0x1] =	stream.indirect_vreg.gather [hbm4b:s5+s3], $0x80, v4, vm0, $0xb8;
	[tilespmem:$0xC100] =	vst v63  }
0x25: {  	_ = 	snop  }
0x26: {  	[tilespmem:s26], [sflag:$0x1] =	stream.indirect_vreg.gather [hbm4b:s6+s3], $0x80, v4, vm0, $0xb8;
	[tilespmem:$0xC100] =	vst v63  }
0x27: {  	_ = 	snop  }
0x28: {  	[tilespmem:s28], [sflag:$0x1] =	stream.indirect_vreg.gather [hbm4b:s2+s3], $0x80, v3, vm0, $0xb8;
	[tilespmem:$0xC100] =	vst v63  }
0x29: {  	_ = 	snop  }
0x2a: {  	[tilespmem:s30], [sflag:$0x1] =	stream.indirect_vreg.gather [hbm4b:s5+s3], $0x80, v3, vm0, $0xb8;
	[tilespmem:$0xC100] =	vst v63  }
0x2b: {  	_ = 	snop  }
0x2c: {  	[tilespmem:s17], [sflag:$0x1] =	stream.indirect_vreg.gather [hbm4b:s6+s3], $0x80, v3, vm0, $0xb8;
	[tilespmem:$0xC100] =	vst v63  }
0x2d: {  	v3 =	vld [tilespmem:$0x10];
	_ =	sdelay $0x4  }
0x2e: {  	v49 =	vshrl.u32 v3, $0x3  }
0x2f: {  	v4 =	vmul.u32 $0x30, v49  }
0x30: {  	v3 =	vand.u32 $0x7, v3  }
0x31: {  	v3 =	vor.u32 v3, v4  }
0x32: {  	v4 =	vperm.xlane v3, v0;
	_ =	sdelay $0x1  }
0x33: {  	v4 =	vadd.s32 v1, v4;
	_ =	sdelay $0x3  }
0x34: {  	v3 =	vperm.xlane v3, v2  }
0x35: {  	[tilespmem:s18], [sflag:$0x1] =	stream.indirect_vreg.gather [hbm4b:s2+s3], $0x80, v4, vm0, $0xb8;
	[tilespmem:$0xC100] =	vst v63  }
0x36: {  	v3 =	vadd.s32 v1, v3  }
0x37: {  	[tilespmem:s19], [sflag:$0x1] =	stream.indirect_vreg.gather [hbm4b:s5+s3], $0x80, v4, vm0, $0xb8;
	[tilespmem:$0xC100] =	vst v63  }
0x38: {  	_ = 	snop  }
0x39: {  	[tilespmem:s20], [sflag:$0x1] =	stream.indirect_vreg.gather [hbm4b:s6+s3], $0x80, v4, vm0, $0xb8;
	[tilespmem:$0xC100] =	vst v63  }
0x3a: {  	_ = 	snop  }
0x3b: {  	[tilespmem:s22], [sflag:$0x1] =	stream.indirect_vreg.gather [hbm4b:s2+s3], $0x80, v3, vm0, $0xb8;
	[tilespmem:$0xC100] =	vst v63  }
0x3c: {  	_ = 	snop  }
0x3d: {  	[tilespmem:s23], [sflag:$0x1] =	stream.indirect_vreg.gather [hbm4b:s5+s3], $0x80, v3, vm0, $0xb8;
	[tilespmem:$0xC100] =	vst v63  }
0x3e: {  	_ = 	snop  }
0x3f: {  	[tilespmem:s24], [sflag:$0x1] =	stream.indirect_vreg.gather [hbm4b:s6+s3], $0x80, v3, vm0, $0xb8;
	[tilespmem:$0xC100] =	vst v63  }
0x40: {  	v3 =	vld [tilespmem:$0x20];
	_ =	sdelay $0x4  }
0x41: {  	v50 =	vshrl.u32 v3, $0x3  }
0x42: {  	v4 =	vmul.u32 $0x30, v50  }
0x43: {  	v3 =	vand.u32 $0x7, v3  }
0x44: {  	v3 =	vor.u32 v3, v4  }
0x45: {  	v4 =	vperm.xlane v3, v0;
	_ =	sdelay $0x1  }
0x46: {  	v4 =	vadd.s32 v1, v4;
	_ =	sdelay $0x3  }
0x47: {  	v3 =	vperm.xlane v3, v2  }
0x48: {  	[tilespmem:s21], [sflag:$0x2] =	stream.indirect_vreg.gather [hbm4b:s2+s3], $0x80, v4, vm0, $0xb8;
	[tilespmem:$0xC100] =	vst v63  }
0x49: {  	s0 =	simm.s32 $0x6900;
	v3 =	vadd.s32 v1, v3  }
0x4a: {  	[tilespmem:s0], [sflag:$0x2] =	stream.indirect_vreg.gather [hbm4b:s5+s3], $0x80, v4, vm0, $0xb8;
	[tilespmem:$0xC100] =	vst v63  }
0x4b: {  	s12 =	simm.s32 $0x7100  }
0x4c: {  	[tilespmem:s12], [sflag:$0x2] =	stream.indirect_vreg.gather [hbm4b:s6+s3], $0x80, v4, vm0, $0xb8;
	[tilespmem:$0xC100] =	vst v63  }
0x4d: {  	s13 =	simm.s32 $0x7900  }
0x4e: {  	[tilespmem:s13], [sflag:$0x2] =	stream.indirect_vreg.gather [hbm4b:s2+s3], $0x80, v3, vm0, $0xb8;
	[tilespmem:$0xC100] =	vst v63  }
0x4f: {  	s14 =	simm.s32 $0x8100  }
0x50: {  	[tilespmem:s14], [sflag:$0x2] =	stream.indirect_vreg.gather [hbm4b:s5+s3], $0x80, v3, vm0, $0xb8;
	[tilespmem:$0xC100] =	vst v63  }
0x51: {  	s15 =	simm.s32 $0x8900  }
0x52: {  	[tilespmem:s15], [sflag:$0x2] =	stream.indirect_vreg.gather [hbm4b:s6+s3], $0x80, v3, vm0, $0xb8;
	[tilespmem:$0xC100] =	vst v63  }
0x53: {  	v3 =	vld [tilespmem:$0x30];
	_ =	sdelay $0x4  }
0x54: {  	v51 =	vshrl.u32 v3, $0x3  }
0x55: {  	v4 =	vmul.u32 $0x30, v51  }
0x56: {  	v3 =	vand.u32 $0x7, v3  }
0x57: {  	v3 =	vor.u32 v3, v4  }
0x58: {  	v4 =	vperm.xlane v3, v0;
	_ =	sdelay $0x1  }
0x59: {  	v4 =	vadd.s32 v1, v4;
	_ =	sdelay $0x3  }
0x5a: {  	s16 =	simm.s32 $0x9100;
	v3 =	vperm.xlane v3, v2  }
0x5b: {  	[tilespmem:s16], [sflag:$0x2] =	stream.indirect_vreg.gather [hbm4b:s2+s3], $0x80, v4, vm0, $0xb8;
	[tilespmem:$0xC100] =	vst v63  }
0x5c: {  	s31 =	simm.s32 $0x9900;
	v3 =	vadd.s32 v1, v3  }
0x5d: {  	[tilespmem:s31], [sflag:$0x2] =	stream.indirect_vreg.gather [hbm4b:s5+s3], $0x80, v4, vm0, $0xb8;
	[tilespmem:$0xC100] =	vst v63  }
0x5e: {  	s1 =	simm.s32 $0xA100  }
0x5f: {  	[tilespmem:s1], [sflag:$0x2] =	stream.indirect_vreg.gather [hbm4b:s6+s3], $0x80, v4, vm0, $0xb8;
	[tilespmem:$0xC100] =	vst v63  }
0x60: {  	s9 =	simm.s32 $0xA900  }
0x61: {  	[tilespmem:s9], [sflag:$0x2] =	stream.indirect_vreg.gather [hbm4b:s2+s3], $0x80, v3, vm0, $0xb8;
	[tilespmem:$0xC100] =	vst v63  }
0x62: {  	s13 =	simm.s32 $0xB100  }
0x63: {  	[tilespmem:s13], [sflag:$0x2] =	stream.indirect_vreg.gather [hbm4b:s5+s3], $0x80, v3, vm0, $0xb8;
	[tilespmem:$0xC100] =	vst v63  }
0x64: {  	s14 =	simm.s32 $0xB900  }
0x65: {  	[tilespmem:s14], [sflag:$0x2] =	stream.indirect_vreg.gather [hbm4b:s6+s3], $0x80, v3, vm0, $0xb8;
	[tilespmem:$0xC100] =	vst v63  }
0x66: {  	_ =	swait.ge [sflag:s4], $0x6000  }
0x67: {  	[sflag:s4] =	ssyncset.done $0x0  }
0x68: {  	s15 =	rddreg [dreg:$0xc];
	[sflag:s4] =	ssyncadd.s32 $0xFFFFA000  }
0x69: {  	[hbm4b:s15+s3] =	stream.linear.scatter [tilespmem:s29], [sflag:$0x3], $0x6000, $0x38;
	[tilespmem:$0xC100] =	vst v63  }
0x6a: {  	_ =	swait.ge [sflag:s8], $0x6000  }
0x6b: {  	[sflag:s8] =	ssyncset.done $0x0  }
0x6c: {  	[sflag:s8] =	ssyncadd.s32 $0xFFFFA000  }
0x6d: {  	v3 =	vld [tilespmem:$0x40];
	_ =	sdelay $0x4  }
0x6e: {  	v52 =	vshrl.u32 v3, $0x3  }
0x6f: {  	v4 =	vmul.u32 $0x30, v52  }
0x70: {  	v3 =	vand.u32 $0x7, v3  }
0x71: {  	v3 =	vor.u32 v3, v4  }
0x72: {  	v4 =	vperm.xlane v3, v0;
	_ =	sdelay $0x1  }
0x73: {  	v4 =	vadd.s32 v1, v4;
	_ =	sdelay $0x3  }
0x74: {  	v3 =	vperm.xlane v3, v2  }
0x75: {  	[tilespmem:s29], [sflag:$0x1] =	stream.indirect_vreg.gather [hbm4b:s2+s3], $0x80, v4, vm0, $0xb8;
	[tilespmem:$0xC100] =	vst v63  }
0x76: {  	v3 =	vadd.s32 v1, v3  }
0x77: {  	[tilespmem:s25], [sflag:$0x1] =	stream.indirect_vreg.gather [hbm4b:s5+s3], $0x80, v4, vm0, $0xb8;
	[tilespmem:$0xC100] =	vst v63  }
0x78: {  	_ = 	snop  }
0x79: {  	[tilespmem:s26], [sflag:$0x1] =	stream.indirect_vreg.gather [hbm4b:s6+s3], $0x80, v4, vm0, $0xb8;
	[tilespmem:$0xC100] =	vst v63  }
0x7a: {  	_ = 	snop  }
0x7b: {  	[tilespmem:s28], [sflag:$0x1] =	stream.indirect_vreg.gather [hbm4b:s2+s3], $0x80, v3, vm0, $0xb8;
	[tilespmem:$0xC100] =	vst v63  }
0x7c: {  	_ = 	snop  }
0x7d: {  	[tilespmem:s30], [sflag:$0x1] =	stream.indirect_vreg.gather [hbm4b:s5+s3], $0x80, v3, vm0, $0xb8;
	[tilespmem:$0xC100] =	vst v63  }
0x7e: {  	_ = 	snop  }
0x7f: {  	[tilespmem:s17], [sflag:$0x1] =	stream.indirect_vreg.gather [hbm4b:s6+s3], $0x80, v3, vm0, $0xb8;
	[tilespmem:$0xC100] =	vst v63  }
0x80: {  	v3 =	vld [tilespmem:$0x50];
	_ =	sdelay $0x4  }
0x81: {  	v53 =	vshrl.u32 v3, $0x3  }
0x82: {  	v4 =	vmul.u32 $0x30, v53  }
0x83: {  	v3 =	vand.u32 $0x7, v3  }
0x84: {  	v3 =	vor.u32 v3, v4  }
0x85: {  	v4 =	vperm.xlane v3, v0;
	_ =	sdelay $0x1  }
0x86: {  	v4 =	vadd.s32 v1, v4;
	_ =	sdelay $0x3  }
0x87: {  	v3 =	vperm.xlane v3, v2  }
0x88: {  	[tilespmem:s18], [sflag:$0x1] =	stream.indirect_vreg.gather [hbm4b:s2+s3], $0x80, v4, vm0, $0xb8;
	[tilespmem:$0xC100] =	vst v63  }
0x89: {  	v3 =	vadd.s32 v1, v3  }
0x8a: {  	[tilespmem:s19], [sflag:$0x1] =	stream.indirect_vreg.gather [hbm4b:s5+s3], $0x80, v4, vm0, $0xb8;
	[tilespmem:$0xC100] =	vst v63  }
0x8b: {  	_ = 	snop  }
0x8c: {  	[tilespmem:s20], [sflag:$0x1] =	stream.indirect_vreg.gather [hbm4b:s6+s3], $0x80, v4, vm0, $0xb8;
	[tilespmem:$0xC100] =	vst v63  }
0x8d: {  	_ = 	snop  }
0x8e: {  	[tilespmem:s22], [sflag:$0x1] =	stream.indirect_vreg.gather [hbm4b:s2+s3], $0x80, v3, vm0, $0xb8;
	[tilespmem:$0xC100] =	vst v63  }
0x8f: {  	_ = 	snop  }
0x90: {  	[tilespmem:s23], [sflag:$0x1] =	stream.indirect_vreg.gather [hbm4b:s5+s3], $0x80, v3, vm0, $0xb8;
	[tilespmem:$0xC100] =	vst v63  }
0x91: {  	_ = 	snop  }
0x92: {  	[tilespmem:s24], [sflag:$0x1] =	stream.indirect_vreg.gather [hbm4b:s6+s3], $0x80, v3, vm0, $0xb8;
	[tilespmem:$0xC100] =	vst v63  }
0x93: {  	_ =	swait.ge [sflag:s10], $0x6000  }
0x94: {  	[sflag:s10] =	ssyncset.done $0x0  }
0x95: {  	s16 =	rddreg [dreg:$0x5];
	[sflag:s10] =	ssyncadd.s32 $0xFFFFA000  }
0x96: {  	[hbm4b:s16+s3] =	stream.linear.scatter [tilespmem:s21], [sflag:$0x4], $0x6000, $0x38;
	[tilespmem:$0xC100] =	vst v63  }
0x97: {  	_ =	swait.ge [sflag:s11], $0x6000  }
0x98: {  	[sflag:s11] =	ssyncset.done $0x0  }
0x99: {  	[sflag:s11] =	ssyncadd.s32 $0xFFFFA000  }
0x9a: {  	v3 =	vld [tilespmem:$0x60];
	_ =	sdelay $0x4  }
0x9b: {  	v54 =	vshrl.u32 v3, $0x3  }
0x9c: {  	v4 =	vmul.u32 $0x30, v54  }
0x9d: {  	v3 =	vand.u32 $0x7, v3  }
0x9e: {  	v3 =	vor.u32 v3, v4  }
0x9f: {  	v4 =	vperm.xlane v3, v0;
	_ =	sdelay $0x1  }
0xa0: {  	v4 =	vadd.s32 v1, v4;
	_ =	sdelay $0x3  }
0xa1: {  	v3 =	vperm.xlane v3, v2  }
0xa2: {  	[tilespmem:s21], [sflag:$0x2] =	stream.indirect_vreg.gather [hbm4b:s2+s3], $0x80, v4, vm0, $0xb8;
	[tilespmem:$0xC100] =	vst v63  }
0xa3: {  	s1 =	simm.s32 $0x6900;
	v3 =	vadd.s32 v1, v3  }
0xa4: {  	[tilespmem:s1], [sflag:$0x2] =	stream.indirect_vreg.gather [hbm4b:s5+s3], $0x80, v4, vm0, $0xb8;
	[tilespmem:$0xC100] =	vst v63  }
0xa5: {  	s9 =	simm.s32 $0x7100  }
0xa6: {  	[tilespmem:s9], [sflag:$0x2] =	stream.indirect_vreg.gather [hbm4b:s6+s3], $0x80, v4, vm0, $0xb8;
	[tilespmem:$0xC100] =	vst v63  }
0xa7: {  	s13 =	simm.s32 $0x7900  }
0xa8: {  	[tilespmem:s13], [sflag:$0x2] =	stream.indirect_vreg.gather [hbm4b:s2+s3], $0x80, v3, vm0, $0xb8;
	[tilespmem:$0xC100] =	vst v63  }
0xa9: {  	s14 =	simm.s32 $0x8100  }
0xaa: {  	[tilespmem:s14], [sflag:$0x2] =	stream.indirect_vreg.gather [hbm4b:s5+s3], $0x80, v3, vm0, $0xb8;
	[tilespmem:$0xC100] =	vst v63  }
0xab: {  	s15 =	simm.s32 $0x8900  }
0xac: {  	[tilespmem:s15], [sflag:$0x2] =	stream.indirect_vreg.gather [hbm4b:s6+s3], $0x80, v3, vm0, $0xb8;
	[tilespmem:$0xC100] =	vst v63  }
0xad: {  	v3 =	vld [tilespmem:$0x70];
	_ =	sdelay $0x4  }
0xae: {  	v55 =	vshrl.u32 v3, $0x3  }
0xaf: {  	v4 =	vmul.u32 $0x30, v55  }
0xb0: {  	v3 =	vand.u32 $0x7, v3  }
0xb1: {  	v3 =	vor.u32 v3, v4  }
0xb2: {  	v4 =	vperm.xlane v3, v0;
	_ =	sdelay $0x1  }
0xb3: {  	v4 =	vadd.s32 v1, v4;
	_ =	sdelay $0x3  }
0xb4: {  	s16 =	simm.s32 $0x9100;
	v3 =	vperm.xlane v3, v2  }
0xb5: {  	[tilespmem:s16], [sflag:$0x2] =	stream.indirect_vreg.gather [hbm4b:s2+s3], $0x80, v4, vm0, $0xb8;
	[tilespmem:$0xC100] =	vst v63  }
0xb6: {  	s0 =	simm.s32 $0x9900;
	v3 =	vadd.s32 v1, v3  }
0xb7: {  	[tilespmem:s0], [sflag:$0x2] =	stream.indirect_vreg.gather [hbm4b:s5+s3], $0x80, v4, vm0, $0xb8;
	[tilespmem:$0xC100] =	vst v63  }
0xb8: {  	s12 =	simm.s32 $0xA100  }
0xb9: {  	[tilespmem:s12], [sflag:$0x2] =	stream.indirect_vreg.gather [hbm4b:s6+s3], $0x80, v4, vm0, $0xb8;
	[tilespmem:$0xC100] =	vst v63  }
0xba: {  	s12 =	simm.s32 $0xA900  }
0xbb: {  	[tilespmem:s12], [sflag:$0x2] =	stream.indirect_vreg.gather [hbm4b:s2+s3], $0x80, v3, vm0, $0xb8;
	[tilespmem:$0xC100] =	vst v63  }
0xbc: {  	s12 =	simm.s32 $0xB100  }
0xbd: {  	[tilespmem:s12], [sflag:$0x2] =	stream.indirect_vreg.gather [hbm4b:s5+s3], $0x80, v3, vm0, $0xb8;
	[tilespmem:$0xC100] =	vst v63  }
0xbe: {  	s31 =	simm.s32 $0xB900  }
0xbf: {  	[tilespmem:s31], [sflag:$0x2] =	stream.indirect_vreg.gather [hbm4b:s6+s3], $0x80, v3, vm0, $0xb8;
	[tilespmem:$0xC100] =	vst v63  }
0xc0: {  	_ =	swait.ge [sflag:s4], $0x6000  }
0xc1: {  	[sflag:s4] =	ssyncset.done $0x0  }
0xc2: {  	s31 =	rddreg [dreg:$0x6];
	[sflag:s4] =	ssyncadd.s32 $0xFFFFA000  }
0xc3: {  	[hbm4b:s31+s3] =	stream.linear.scatter [tilespmem:s29], [sflag:$0x3], $0x6000, $0x38;
	[tilespmem:$0xC100] =	vst v63  }
0xc4: {  	_ =	swait.ge [sflag:s8], $0x6000  }
0xc5: {  	[sflag:s8] =	ssyncset.done $0x0  }
0xc6: {  	[sflag:s8] =	ssyncadd.s32 $0xFFFFA000  }
0xc7: {  	v3 =	vld [tilespmem:$0x80];
	_ =	sdelay $0x4  }
0xc8: {  	v56 =	vshrl.u32 v3, $0x3  }
0xc9: {  	v4 =	vmul.u32 $0x30, v56  }
0xca: {  	v3 =	vand.u32 $0x7, v3  }
0xcb: {  	v3 =	vor.u32 v3, v4  }
0xcc: {  	v4 =	vperm.xlane v3, v0;
	_ =	sdelay $0x1  }
0xcd: {  	v4 =	vadd.s32 v1, v4;
	_ =	sdelay $0x3  }
0xce: {  	v3 =	vperm.xlane v3, v2  }
0xcf: {  	[tilespmem:s29], [sflag:$0x1] =	stream.indirect_vreg.gather [hbm4b:s2+s3], $0x80, v4, vm0, $0xb8;
	[tilespmem:$0xC100] =	vst v63  }
0xd0: {  	v3 =	vadd.s32 v1, v3  }
0xd1: {  	[tilespmem:s25], [sflag:$0x1] =	stream.indirect_vreg.gather [hbm4b:s5+s3], $0x80, v4, vm0, $0xb8;
	[tilespmem:$0xC100] =	vst v63  }
0xd2: {  	_ = 	snop  }
0xd3: {  	[tilespmem:s26], [sflag:$0x1] =	stream.indirect_vreg.gather [hbm4b:s6+s3], $0x80, v4, vm0, $0xb8;
	[tilespmem:$0xC100] =	vst v63  }
0xd4: {  	_ = 	snop  }
0xd5: {  	[tilespmem:s28], [sflag:$0x1] =	stream.indirect_vreg.gather [hbm4b:s2+s3], $0x80, v3, vm0, $0xb8;
	[tilespmem:$0xC100] =	vst v63  }
0xd6: {  	_ = 	snop  }
0xd7: {  	[tilespmem:s30], [sflag:$0x1] =	stream.indirect_vreg.gather [hbm4b:s5+s3], $0x80, v3, vm0, $0xb8;
	[tilespmem:$0xC100] =	vst v63  }
0xd8: {  	_ = 	snop  }
0xd9: {  	[tilespmem:s17], [sflag:$0x1] =	stream.indirect_vreg.gather [hbm4b:s6+s3], $0x80, v3, vm0, $0xb8;
	[tilespmem:$0xC100] =	vst v63  }
0xda: {  	v3 =	vld [tilespmem:$0x90];
	_ =	sdelay $0x4  }
0xdb: {  	v57 =	vshrl.u32 v3, $0x3  }
0xdc: {  	v4 =	vmul.u32 $0x30, v57  }
0xdd: {  	v3 =	vand.u32 $0x7, v3  }
0xde: {  	v3 =	vor.u32 v3, v4  }
0xdf: {  	v4 =	vperm.xlane v3, v0;
	_ =	sdelay $0x1  }
0xe0: {  	v4 =	vadd.s32 v1, v4;
	_ =	sdelay $0x3  }
0xe1: {  	v3 =	vperm.xlane v3, v2  }
0xe2: {  	[tilespmem:s18], [sflag:$0x1] =	stream.indirect_vreg.gather [hbm4b:s2+s3], $0x80, v4, vm0, $0xb8;
	[tilespmem:$0xC100] =	vst v63  }
0xe3: {  	v3 =	vadd.s32 v1, v3  }
0xe4: {  	[tilespmem:s19], [sflag:$0x1] =	stream.indirect_vreg.gather [hbm4b:s5+s3], $0x80, v4, vm0, $0xb8;
	[tilespmem:$0xC100] =	vst v63  }
0xe5: {  	_ = 	snop  }
0xe6: {  	[tilespmem:s20], [sflag:$0x1] =	stream.indirect_vreg.gather [hbm4b:s6+s3], $0x80, v4, vm0, $0xb8;
	[tilespmem:$0xC100] =	vst v63  }
0xe7: {  	_ = 	snop  }
0xe8: {  	[tilespmem:s22], [sflag:$0x1] =	stream.indirect_vreg.gather [hbm4b:s2+s3], $0x80, v3, vm0, $0xb8;
	[tilespmem:$0xC100] =	vst v63  }
0xe9: {  	_ = 	snop  }
0xea: {  	[tilespmem:s23], [sflag:$0x1] =	stream.indirect_vreg.gather [hbm4b:s5+s3], $0x80, v3, vm0, $0xb8;
	[tilespmem:$0xC100] =	vst v63  }
0xeb: {  	_ = 	snop  }
0xec: {  	[tilespmem:s24], [sflag:$0x1] =	stream.indirect_vreg.gather [hbm4b:s6+s3], $0x80, v3, vm0, $0xb8;
	[tilespmem:$0xC100] =	vst v63  }
0xed: {  	_ =	swait.ge [sflag:s10], $0x6000  }
0xee: {  	[sflag:s10] =	ssyncset.done $0x0  }
0xef: {  	s31 =	rddreg [dreg:$0x7];
	[sflag:s10] =	ssyncadd.s32 $0xFFFFA000  }
0xf0: {  	[hbm4b:s31+s3] =	stream.linear.scatter [tilespmem:s21], [sflag:$0x4], $0x6000, $0x38;
	[tilespmem:$0xC100] =	vst v63  }
0xf1: {  	_ =	swait.ge [sflag:s11], $0x6000  }
0xf2: {  	[sflag:s11] =	ssyncset.done $0x0  }
0xf3: {  	[sflag:s11] =	ssyncadd.s32 $0xFFFFA000  }
0xf4: {  	v3 =	vld [tilespmem:$0xA0];
	_ =	sdelay $0x4  }
0xf5: {  	v58 =	vshrl.u32 v3, $0x3  }
0xf6: {  	v4 =	vmul.u32 $0x30, v58  }
0xf7: {  	v3 =	vand.u32 $0x7, v3  }
0xf8: {  	v3 =	vor.u32 v3, v4  }
0xf9: {  	v4 =	vperm.xlane v3, v0;
	_ =	sdelay $0x1  }
0xfa: {  	v4 =	vadd.s32 v1, v4;
	_ =	sdelay $0x3  }
0xfb: {  	v3 =	vperm.xlane v3, v2  }
0xfc: {  	[tilespmem:s21], [sflag:$0x2] =	stream.indirect_vreg.gather [hbm4b:s2+s3], $0x80, v4, vm0, $0xb8;
	[tilespmem:$0xC100] =	vst v63  }
0xfd: {  	v3 =	vadd.s32 v1, v3  }
0xfe: {  	[tilespmem:s1], [sflag:$0x2] =	stream.indirect_vreg.gather [hbm4b:s5+s3], $0x80, v4, vm0, $0xb8;
	[tilespmem:$0xC100] =	vst v63  }
0xff: {  	_ = 	snop  }
0x100: {  	[tilespmem:s9], [sflag:$0x2] =	stream.indirect_vreg.gather [hbm4b:s6+s3], $0x80, v4, vm0, $0xb8;
	[tilespmem:$0xC100] =	vst v63  }
0x101: {  	_ = 	snop  }
0x102: {  	[tilespmem:s13], [sflag:$0x2] =	stream.indirect_vreg.gather [hbm4b:s2+s3], $0x80, v3, vm0, $0xb8;
	[tilespmem:$0xC100] =	vst v63  }
0x103: {  	_ = 	snop  }
0x104: {  	[tilespmem:s14], [sflag:$0x2] =	stream.indirect_vreg.gather [hbm4b:s5+s3], $0x80, v3, vm0, $0xb8;
	[tilespmem:$0xC100] =	vst v63  }
0x105: {  	_ = 	snop  }
0x106: {  	[tilespmem:s15], [sflag:$0x2] =	stream.indirect_vreg.gather [hbm4b:s6+s3], $0x80, v3, vm0, $0xb8;
	[tilespmem:$0xC100] =	vst v63  }
0x107: {  	v3 =	vld [tilespmem:$0xB0];
	_ =	sdelay $0x4  }
0x108: {  	v59 =	vshrl.u32 v3, $0x3  }
0x109: {  	v4 =	vmul.u32 $0x30, v59  }
0x10a: {  	v3 =	vand.u32 $0x7, v3  }
0x10b: {  	v3 =	vor.u32 v3, v4  }
0x10c: {  	v4 =	vperm.xlane v3, v0;
	_ =	sdelay $0x1  }
0x10d: {  	v4 =	vadd.s32 v1, v4;
	_ =	sdelay $0x3  }
0x10e: {  	v3 =	vperm.xlane v3, v2  }
0x10f: {  	[tilespmem:s16], [sflag:$0x2] =	stream.indirect_vreg.gather [hbm4b:s2+s3], $0x80, v4, vm0, $0xb8;
	[tilespmem:$0xC100] =	vst v63  }
0x110: {  	v3 =	vadd.s32 v1, v3  }
0x111: {  	[tilespmem:s0], [sflag:$0x2] =	stream.indirect_vreg.gather [hbm4b:s5+s3], $0x80, v4, vm0, $0xb8;
	[tilespmem:$0xC100] =	vst v63  }
0x112: {  	s31 =	simm.s32 $0xA100  }
0x113: {  	[tilespmem:s31], [sflag:$0x2] =	stream.indirect_vreg.gather [hbm4b:s6+s3], $0x80, v4, vm0, $0xb8;
	[tilespmem:$0xC100] =	vst v63  }
0x114: {  	s31 =	simm.s32 $0xA900  }
0x115: {  	[tilespmem:s31], [sflag:$0x2] =	stream.indirect_vreg.gather [hbm4b:s2+s3], $0x80, v3, vm0, $0xb8;
	[tilespmem:$0xC100] =	vst v63  }
0x116: {  	s12 =	simm.s32 $0xB100  }
0x117: {  	[tilespmem:s12], [sflag:$0x2] =	stream.indirect_vreg.gather [hbm4b:s5+s3], $0x80, v3, vm0, $0xb8;
	[tilespmem:$0xC100] =	vst v63  }
0x118: {  	s12 =	simm.s32 $0xB900  }
0x119: {  	[tilespmem:s12], [sflag:$0x2] =	stream.indirect_vreg.gather [hbm4b:s6+s3], $0x80, v3, vm0, $0xb8;
	[tilespmem:$0xC100] =	vst v63  }
0x11a: {  	_ =	swait.ge [sflag:s4], $0x6000  }
0x11b: {  	[sflag:s4] =	ssyncset.done $0x0  }
0x11c: {  	s12 =	rddreg [dreg:$0x8];
	[sflag:s4] =	ssyncadd.s32 $0xFFFFA000  }
0x11d: {  	[hbm4b:s12+s3] =	stream.linear.scatter [tilespmem:s29], [sflag:$0x3], $0x6000, $0x38;
	[tilespmem:$0xC100] =	vst v63  }
0x11e: {  	_ =	swait.ge [sflag:s8], $0x6000  }
0x11f: {  	[sflag:s8] =	ssyncset.done $0x0  }
0x120: {  	[sflag:s8] =	ssyncadd.s32 $0xFFFFA000  }
0x121: {  	v3 =	vld [tilespmem:$0xC0];
	_ =	sdelay $0x4  }
0x122: {  	v60 =	vshrl.u32 v3, $0x3  }
0x123: {  	v4 =	vmul.u32 $0x30, v60  }
0x124: {  	v3 =	vand.u32 $0x7, v3  }
0x125: {  	v3 =	vor.u32 v3, v4  }
0x126: {  	v4 =	vperm.xlane v3, v0;
	_ =	sdelay $0x1  }
0x127: {  	v4 =	vadd.s32 v1, v4;
	_ =	sdelay $0x3  }
0x128: {  	v3 =	vperm.xlane v3, v2  }
0x129: {  	[tilespmem:s29], [sflag:$0x1] =	stream.indirect_vreg.gather [hbm4b:s2+s3], $0x80, v4, vm0, $0xb8;
	[tilespmem:$0xC100] =	vst v63  }
0x12a: {  	v3 =	vadd.s32 v1, v3  }
0x12b: {  	[tilespmem:s25], [sflag:$0x1] =	stream.indirect_vreg.gather [hbm4b:s5+s3], $0x80, v4, vm0, $0xb8;
	[tilespmem:$0xC100] =	vst v63  }
0x12c: {  	_ = 	snop  }
0x12d: {  	[tilespmem:s26], [sflag:$0x1] =	stream.indirect_vreg.gather [hbm4b:s6+s3], $0x80, v4, vm0, $0xb8;
	[tilespmem:$0xC100] =	vst v63  }
0x12e: {  	_ = 	snop  }
0x12f: {  	[tilespmem:s28], [sflag:$0x1] =	stream.indirect_vreg.gather [hbm4b:s2+s3], $0x80, v3, vm0, $0xb8;
	[tilespmem:$0xC100] =	vst v63  }
0x130: {  	_ = 	snop  }
0x131: {  	[tilespmem:s30], [sflag:$0x1] =	stream.indirect_vreg.gather [hbm4b:s5+s3], $0x80, v3, vm0, $0xb8;
	[tilespmem:$0xC100] =	vst v63  }
0x132: {  	_ = 	snop  }
0x133: {  	[tilespmem:s17], [sflag:$0x1] =	stream.indirect_vreg.gather [hbm4b:s6+s3], $0x80, v3, vm0, $0xb8;
	[tilespmem:$0xC100] =	vst v63  }
0x134: {  	v3 =	vld [tilespmem:$0xD0];
	_ =	sdelay $0x4  }
0x135: {  	v61 =	vshrl.u32 v3, $0x3  }
0x136: {  	v4 =	vmul.u32 $0x30, v61  }
0x137: {  	v3 =	vand.u32 $0x7, v3  }
0x138: {  	v3 =	vor.u32 v3, v4  }
0x139: {  	v4 =	vperm.xlane v3, v0;
	_ =	sdelay $0x1  }
0x13a: {  	v4 =	vadd.s32 v1, v4;
	_ =	sdelay $0x3  }
0x13b: {  	v3 =	vperm.xlane v3, v2  }
0x13c: {  	[tilespmem:s18], [sflag:$0x1] =	stream.indirect_vreg.gather [hbm4b:s2+s3], $0x80, v4, vm0, $0xb8;
	[tilespmem:$0xC100] =	vst v63  }
0x13d: {  	v3 =	vadd.s32 v1, v3  }
0x13e: {  	[tilespmem:s19], [sflag:$0x1] =	stream.indirect_vreg.gather [hbm4b:s5+s3], $0x80, v4, vm0, $0xb8;
	[tilespmem:$0xC100] =	vst v63  }
0x13f: {  	_ = 	snop  }
0x140: {  	[tilespmem:s20], [sflag:$0x1] =	stream.indirect_vreg.gather [hbm4b:s6+s3], $0x80, v4, vm0, $0xb8;
	[tilespmem:$0xC100] =	vst v63  }
0x141: {  	_ = 	snop  }
0x142: {  	[tilespmem:s22], [sflag:$0x1] =	stream.indirect_vreg.gather [hbm4b:s2+s3], $0x80, v3, vm0, $0xb8;
	[tilespmem:$0xC100] =	vst v63  }
0x143: {  	_ = 	snop  }
0x144: {  	[tilespmem:s23], [sflag:$0x1] =	stream.indirect_vreg.gather [hbm4b:s5+s3], $0x80, v3, vm0, $0xb8;
	[tilespmem:$0xC100] =	vst v63  }
0x145: {  	_ = 	snop  }
0x146: {  	[tilespmem:s24], [sflag:$0x1] =	stream.indirect_vreg.gather [hbm4b:s6+s3], $0x80, v3, vm0, $0xb8;
	[tilespmem:$0xC100] =	vst v63  }
0x147: {  	_ =	swait.ge [sflag:s10], $0x6000  }
0x148: {  	[sflag:s10] =	ssyncset.done $0x0  }
0x149: {  	s12 =	rddreg [dreg:$0x9];
	[sflag:s10] =	ssyncadd.s32 $0xFFFFA000  }
0x14a: {  	[hbm4b:s12+s3] =	stream.linear.scatter [tilespmem:s21], [sflag:$0x4], $0x6000, $0x38;
	[tilespmem:$0xC100] =	vst v63  }
0x14b: {  	_ =	swait.ge [sflag:s11], $0x6000  }
0x14c: {  	[sflag:s11] =	ssyncset.done $0x0  }
0x14d: {  	[sflag:s11] =	ssyncadd.s32 $0xFFFFA000  }
0x14e: {  	v3 =	vld [tilespmem:$0xE0];
	_ =	sdelay $0x4  }
0x14f: {  	v62 =	vshrl.u32 v3, $0x3  }
0x150: {  	v4 =	vmul.u32 $0x30, v62  }
0x151: {  	v3 =	vand.u32 $0x7, v3  }
0x152: {  	v3 =	vor.u32 v3, v4  }
0x153: {  	v4 =	vperm.xlane v3, v0;
	_ =	sdelay $0x1  }
0x154: {  	v4 =	vadd.s32 v1, v4;
	_ =	sdelay $0x3  }
0x155: {  	v3 =	vperm.xlane v3, v2  }
0x156: {  	[tilespmem:s21], [sflag:$0x2] =	stream.indirect_vreg.gather [hbm4b:s2+s3], $0x80, v4, vm0, $0xb8;
	[tilespmem:$0xC100] =	vst v63  }
0x157: {  	s1 =	simm.s32 $0x6900;
	v3 =	vadd.s32 v1, v3  }
0x158: {  	[tilespmem:s1], [sflag:$0x2] =	stream.indirect_vreg.gather [hbm4b:s5+s3], $0x80, v4, vm0, $0xb8;
	[tilespmem:$0xC100] =	vst v63  }
0x159: {  	s9 =	simm.s32 $0x7100  }
0x15a: {  	[tilespmem:s9], [sflag:$0x2] =	stream.indirect_vreg.gather [hbm4b:s6+s3], $0x80, v4, vm0, $0xb8;
	[tilespmem:$0xC100] =	vst v63  }
0x15b: {  	s13 =	simm.s32 $0x7900  }
0x15c: {  	[tilespmem:s13], [sflag:$0x2] =	stream.indirect_vreg.gather [hbm4b:s2+s3], $0x80, v3, vm0, $0xb8;
	[tilespmem:$0xC100] =	vst v63  }
0x15d: {  	s14 =	simm.s32 $0x8100  }
0x15e: {  	[tilespmem:s14], [sflag:$0x2] =	stream.indirect_vreg.gather [hbm4b:s5+s3], $0x80, v3, vm0, $0xb8;
	[tilespmem:$0xC100] =	vst v63  }
0x15f: {  	s15 =	simm.s32 $0x8900  }
0x160: {  	[tilespmem:s15], [sflag:$0x2] =	stream.indirect_vreg.gather [hbm4b:s6+s3], $0x80, v3, vm0, $0xb8;
	[tilespmem:$0xC100] =	vst v63  }
0x161: {  	v3 =	vld [tilespmem:$0xF0];
	_ =	sdelay $0x4  }
0x162: {  	v63 =	vshrl.u32 v3, $0x3  }
0x163: {  	v4 =	vmul.u32 $0x30, v63  }
0x164: {  	v3 =	vand.u32 $0x7, v3  }
0x165: {  	v3 =	vor.u32 v3, v4  }
0x166: {  	v4 =	vperm.xlane v3, v0;
	_ =	sdelay $0x1  }
0x167: {  	v4 =	vadd.s32 v1, v4;
	_ =	sdelay $0x3  }
0x168: {  	s16 =	simm.s32 $0x9100;
	v3 =	vperm.xlane v3, v2  }
0x169: {  	[tilespmem:s16], [sflag:$0x2] =	stream.indirect_vreg.gather [hbm4b:s2+s3], $0x80, v4, vm0, $0xb8;
	[tilespmem:$0xC100] =	vst v63  }
0x16a: {  	s0 =	simm.s32 $0x9900;
	v3 =	vadd.s32 v1, v3  }
0x16b: {  	[tilespmem:s0], [sflag:$0x2] =	stream.indirect_vreg.gather [hbm4b:s5+s3], $0x80, v4, vm0, $0xb8;
	[tilespmem:$0xC100] =	vst v63  }
0x16c: {  	s13 =	simm.s32 $0xA100  }
0x16d: {  	[tilespmem:s13], [sflag:$0x2] =	stream.indirect_vreg.gather [hbm4b:s6+s3], $0x80, v4, vm0, $0xb8;
	[tilespmem:$0xC100] =	vst v63  }
0x16e: {  	s31 =	simm.s32 $0xA900  }
0x16f: {  	[tilespmem:s31], [sflag:$0x2] =	stream.indirect_vreg.gather [hbm4b:s2+s3], $0x80, v3, vm0, $0xb8;
	[tilespmem:$0xC100] =	vst v63  }
0x170: {  	s14 =	simm.s32 $0xB100  }
0x171: {  	[tilespmem:s14], [sflag:$0x2] =	stream.indirect_vreg.gather [hbm4b:s5+s3], $0x80, v3, vm0, $0xb8;
	[tilespmem:$0xC100] =	vst v63  }
0x172: {  	s15 =	simm.s32 $0xB900  }
0x173: {  	[tilespmem:s15], [sflag:$0x2] =	stream.indirect_vreg.gather [hbm4b:s6+s3], $0x80, v3, vm0, $0xb8;
	[tilespmem:$0xC100] =	vst v63  }
0x174: {  	_ =	swait.ge [sflag:s4], $0x6000  }
0x175: {  	[sflag:s4] =	ssyncset.done $0x0  }
0x176: {  	s16 =	rddreg [dreg:$0xa];
	[sflag:s4] =	ssyncadd.s32 $0xFFFFA000  }
0x177: {  	[hbm4b:s16+s3] =	stream.linear.scatter [tilespmem:s29], [sflag:$0x3], $0x6000, $0x38;
	[tilespmem:$0xC100] =	vst v63  }
0x178: {  	_ =	swait.ge [sflag:s10], $0x6000  }
0x179: {  	[sflag:s10] =	ssyncset.done $0x0  }
0x17a: {  	s31 =	rddreg [dreg:$0xb];
	[sflag:s10] =	ssyncadd.s32 $0xFFFFA000  }
0x17b: {  	[hbm4b:s31+s3] =	stream.linear.scatter [tilespmem:s21], [sflag:$0x4], $0x6000, $0x38;
	[tilespmem:$0xC100] =	vst v63  }
0x17c: {  	p0 =	sne.s32 s7, $0x1;
	_ =	swait.ge [sflag:s8], $0x6000  }
.Ltmp0:
0x17d: {  	[sflag:s8] =	ssyncset.done $0x0;
	(pc) =	sbr.rel @p0 .LBB2_1-.Ltmp0, $4  }
0x17e: {  	[sflag:s8] =	ssyncadd.s32 $0xFFFFA000  }
0x17f: {  	_ =	swait.ge [sflag:s11], $0x6000  }
0x180: {  	[sflag:s11] =	ssyncset.done $0x0  }
0x181: {  	s7 =	sadd.s32 $0xFFFFFFFF, s7;
	[sflag:s11] =	ssyncadd.s32 $0xFFFFA000  }
0x182: {  	_ =	sfence.sel $0x180000  }
0x183: {  	[bflag:$0x0] =	sbarrier.arrive $0xFFFF  }
0x184: {  	_ =	strace $0x90000047  }
0x185: {  	s0 =	stileid.u32;
	[bflag:$0x2] =	sbarrier.arrive $0xFFFF  }
0x186: {  	p0 =	sne.s32 s0, $0x0;
	s0 =	rddreg [dreg:$0x3]  }
0x187: {  	s0 =	sadd.s32 @!p0 $0x100000, s0  }
0x188: {  	[sflag:s0] =	ssyncadd.tile.s32 @!p0 $0x1;
	_ =	shalt  }
.Lfunc_end2:
_tile_overlayer_lowered:
.L_overlay_start_2:
0x189: {  	(tag) =	ssettag $0x2  }
0x18a: {  	s0 =	rddreg [dreg:$0x0];
	s2 =	stileid.u32  }
0x18b: {  	s1 =	rddreg [dreg:$0x1];
	p0 =	sne.s32 s2, $0x0  }
0x18c: {  	s3 =	rddreg [dreg:$0x2];
	[bflag:$0x3] =	sbarrier.arrive $0xFFFF;
	s2 =	simm.s32 @!p0 $0x1C05  }
0x18d: {  	[timem:s3], [sflag:s2] =	dma.local @!p0 [hbm:s0], s1  }
0x18e: {  	s0 =	simm.s32 @!p0 $0x5  }
0x18f: {  	_ =	swait.ge @!p0 [sflag:s0], s1  }
0x190: {  	s1 =	ssub.s32 @!p0 $0x0, s1;
	[sflag:s0] =	ssyncset.done @!p0 $0x0  }
0x191: {  	[sflag:s0] =	ssyncadd.s32 @!p0 s1  }
0x192: {  	[bflag:$0x3] =	sbarrier.arrive $0xFFFF  }
0x193: {  	_ =	shalt  }

</sc_bundles>
